<compile_context>
chip_gen: v7x
topology: tpu7x:2x2x1
jax: 0.10.2.dev20260603
libtpu: 0.0.44.dev20260713+nightly
codegen_flags: <defaults>
</compile_context>

<pallas_src>
import functools

import jax
import jax.numpy as jnp
from jax import lax
from jax.experimental import pallas as pl
from jax.experimental.pallas import tpu as pltpu
from jax.experimental.pallas import tpu_sc as plsc

_NC = 2
_NS = 16
_NW = _NC * _NS
_L = 16
_UNROLL = 8


@functools.lru_cache(maxsize=None)
def _build_kernel(V: int, D: int, BATCH: int, HIST: int):
    d_per_w = D // _NW
    mesh = plsc.VectorSubcoreMesh(core_axis_name="c", subcore_axis_name="s")

    @functools.partial(
        pl.kernel,
        out_type=jax.ShapeDtypeStruct((HIST, D, BATCH), jnp.float32),
        mesh=mesh,
        scratch_types=[
            pltpu.VMEM((V,), jnp.float32),
            pltpu.VMEM((4, 1, BATCH), jnp.int32),
            pltpu.VMEM((2, 1, 1, BATCH), jnp.float32),
            pltpu.SemaphoreType.DMA,
            pltpu.SemaphoreType.DMA,
            pltpu.SemaphoreType.DMA,
            pltpu.SemaphoreType.DMA,
            pltpu.SemaphoreType.DMA,
            pltpu.SemaphoreType.DMA,
        ],
        compiler_params=pltpu.CompilerParams(needs_layout_passes=False),
    )
    def k(idx_t, table_t, out_t, row_v, idx_b, cell_b,
          isem0, isem1, isem2, isem3, osem0, osem1):
        wid = lax.axis_index("s") * _NC + lax.axis_index("c")
        d0 = wid * d_per_w
        isems = (isem0, isem1, isem2, isem3)
        osems = (osem0, osem1)

        def gather_cell(idx_v, cell_v):
            def per_vec(i, c2):
                offs = [(i * _UNROLL + u) * _L for u in range(_UNROLL)]
                vidx = [idx_v[pl.ds(o, _L)] for o in offs]
                vals = [plsc.load_gather(row_v, [vi]) for vi in vidx]
                for o, va in zip(offs, vals):
                    cell_v[pl.ds(o, _L)] = va
                return c2

            lax.fori_loop(0, BATCH // (_L * _UNROLL), per_vec, 0)

        def step(h, i, par, d, first):
            cb = par % 2
            pltpu.make_async_copy(
                idx_t.at[pl.ds(h, 1)], idx_b.at[par], isems[par]).wait()

            def drain():
                pltpu.make_async_copy(
                    cell_b.at[cb], out_t.at[pl.ds(h - 2, 1), pl.ds(d, 1)],
                    osems[cb]).wait()

            if first:
                pl.when(i > 0)(drain)
            else:
                drain()

            gather_cell(idx_b.at[par, 0], cell_b.at[cb, 0, 0])
            pltpu.async_copy(
                cell_b.at[cb], out_t.at[pl.ds(h, 1), pl.ds(d, 1)], osems[cb])

            @pl.when(h + 4 < HIST)
            def _():
                pltpu.async_copy(
                    idx_t.at[pl.ds(h + 4, 1)], idx_b.at[par], isems[par])

        def per_feature(df, carry):
            d = d0 + df
            pltpu.sync_copy(table_t.at[d], row_v)
            for par in range(4):
                pltpu.async_copy(
                    idx_t.at[pl.ds(par, 1)], idx_b.at[par], isems[par])

            def quad(i, c):
                for par in range(4):
                    step(i * 4 + par, i, par, d, first=(par < 2))
                return c

            lax.fori_loop(0, HIST // 4, quad, 0)
            for par in range(HIST % 4):
                step(HIST - (HIST % 4) + par, HIST // 4, par, d, first=False)
            pltpu.make_async_copy(
                cell_b.at[0], out_t.at[pl.ds(HIST - 2, 1), pl.ds(d, 1)],
                osems[0]).wait()
            pltpu.make_async_copy(
                cell_b.at[1], out_t.at[pl.ds(HIST - 1, 1), pl.ds(d, 1)],
                osems[1]).wait()
            return carry

        lax.fori_loop(0, d_per_w, per_feature, 0)

    return k


def kernel(inputs, embedding_weight):
    batch, hist = inputs.shape
    vocab, dim = embedding_weight.shape
    idx_t = inputs.T.astype(jnp.int32)
    table_t = embedding_weight.T
    out_t = _build_kernel(vocab, dim, batch, hist)(idx_t, table_t)
    return jnp.transpose(out_t, (2, 0, 1))

# --- scband reference (transcript-rebuilt; emitter-appended) ---
"""Pipeline reference for scband-embedding-layer-12627203850959 (READ-ONLY COPY).

The authoritative reference and input builder live on the scoring server;
editing this copy changes nothing except your own understanding.
"""

import jax, jax.numpy as jnp
import numpy as np

VOCAB = 100000
EMBED_DIM = 64
BATCH = 4096
HIST = 50

def setup_inputs(seed: int = 0) -> dict:
    key = jax.random.key(seed)
    k_idx, k_tab = jax.random.split(key)
    inputs = jax.random.randint(k_idx, (BATCH, HIST), 0, VOCAB, dtype=jnp.int64 if jax.config.jax_enable_x64 else jnp.int32)
    embedding_weight = jax.random.normal(k_tab, (VOCAB, EMBED_DIM), dtype=jnp.float32)
    return {"inputs": inputs, "embedding_weight": embedding_weight}

def reference(inputs, embedding_weight):
    # nn.Embedding.from_pretrained lookup: gather rows of the table
    x = jnp.take(embedding_weight, inputs, axis=0)
    # dropout in eval/inference mode is identity
    return x

if __name__ == "__main__":
    import jax
    _d = setup_inputs()
    print(jax.jit(kernel)(*tuple(_d.values())))

</pallas_src>

<mosaic_0001>
#map = affine_map<(d0, d1) -> (0, 0)>
#map1 = affine_map<(d0, d1) -> (0, 0, 0)>
module attributes {stable_mosaic.version = 14 : i64} {
  func.func @k(%arg0: i32, %arg1: i32, %arg2: memref<50x4096xi32, #tpu.memory_space<hbm>>, %arg3: memref<64x100000xf32, #tpu.memory_space<hbm>>, %arg4: memref<50x64x4096xf32, #tpu.memory_space<hbm>>, %arg5: memref<100000xf32, #tpu.memory_space<vmem>>, %arg6: memref<4x1x4096xi32, #tpu.memory_space<vmem>>, %arg7: memref<2x1x1x4096xf32, #tpu.memory_space<vmem>>, %arg8: memref<!tpu.dma_semaphore, #tpu.memory_space<semaphore_mem>>, %arg9: memref<!tpu.dma_semaphore, #tpu.memory_space<semaphore_mem>>, %arg10: memref<!tpu.dma_semaphore, #tpu.memory_space<semaphore_mem>>, %arg11: memref<!tpu.dma_semaphore, #tpu.memory_space<semaphore_mem>>, %arg12: memref<!tpu.dma_semaphore, #tpu.memory_space<semaphore_mem>>, %arg13: memref<!tpu.dma_semaphore, #tpu.memory_space<semaphore_mem>>) attributes {dimension_semantics = [#tpu.dimension_semantics<core_parallel>, #tpu.dimension_semantics<subcore_parallel>], iteration_bounds = array<i64: 2, 16>, scalar_prefetch = 0 : i64, scratch_operands = 9 : i64, tpu.core_type = #tpu.core_type<sc_vector_subcore>, window_params = [{transform_indices = #map}, {transform_indices = #map}, {transform_indices = #map1}]} {
    %mul3A = arith.constant 2 : i32
    %mul3A_0 = arith.muli %arg1, %mul3A : i32
    %add3A = arith.addi %mul3A_0, %arg0 : i32
    %mul3A_1 = arith.constant 2 : i32
    %mul3A_2 = arith.muli %add3A, %mul3A_1 : i32
    %scan3A = arith.constant 0 : i32
    %scan3A_3 = arith.constant 0 : i32
    %scan3A_4 = arith.constant 2 : i32
    %scan3A_5 = arith.addi %scan3A_3, %scan3A_4 : i32
    %scan3A_6 = arith.constant 1 : i32
    scf.for %scan3A_8 = %scan3A_3 to %scan3A_5 step %scan3A_6  : i32 {
      %add3A_9 = arith.addi %mul3A_2, %scan3A_8 : i32
      "tpu.region"() ({
        %run_scoped3A = tpu.sem_alloc : memref<!tpu.dma_semaphore, #tpu.memory_space<semaphore_mem>>
        %dma_start3A_228 = arith.constant 0 : i32
        %dma_start3A_229 = tpu.memref_slice %arg3[%add3A_9, %dma_start3A_228] : memref<64x100000xf32, #tpu.memory_space<hbm>> -> memref<1x100000xf32, #tpu.memory_space<hbm>>
        %dma_start3A_230 = tpu.memref_squeeze %dma_start3A_229 : memref<1x100000xf32, #tpu.memory_space<hbm>> -> memref<100000xf32, #tpu.memory_space<hbm>>
        %dma_start3A_231 = arith.constant 0 : i32
        %dma_start3A_232 = tpu.memref_slice %arg3[%add3A_9, %dma_start3A_231] : memref<64x100000xf32, #tpu.memory_space<hbm>> -> memref<1x100000xf32, #tpu.memory_space<hbm>>
        %dma_start3A_233 = tpu.memref_squeeze %dma_start3A_232 : memref<1x100000xf32, #tpu.memory_space<hbm>> -> memref<100000xf32, #tpu.memory_space<hbm>>
        tpu.enqueue_dma source(%dma_start3A_233 : memref<100000xf32, #tpu.memory_space<hbm>>) target(%arg5 : memref<100000xf32, #tpu.memory_space<vmem>>) target_semaphore(%run_scoped3A : memref<!tpu.dma_semaphore, #tpu.memory_space<semaphore_mem>>)
        %dma_wait3A_234 = arith.constant 0 : i32
        %dma_wait3A_235 = tpu.memref_slice %arg3[%add3A_9, %dma_wait3A_234] : memref<64x100000xf32, #tpu.memory_space<hbm>> -> memref<1x100000xf32, #tpu.memory_space<hbm>>
        %dma_wait3A_236 = tpu.memref_squeeze %dma_wait3A_235 : memref<1x100000xf32, #tpu.memory_space<hbm>> -> memref<100000xf32, #tpu.memory_space<hbm>>
        %dma_wait3A_237 = arith.constant 0 : i32
        %dma_wait3A_238 = tpu.memref_slice %arg3[%add3A_9, %dma_wait3A_237] : memref<64x100000xf32, #tpu.memory_space<hbm>> -> memref<1x100000xf32, #tpu.memory_space<hbm>>
        %dma_wait3A_239 = tpu.memref_squeeze %dma_wait3A_238 : memref<1x100000xf32, #tpu.memory_space<hbm>> -> memref<100000xf32, #tpu.memory_space<hbm>>
        tpu.wait_dma2 semaphore(%run_scoped3A : memref<!tpu.dma_semaphore, #tpu.memory_space<semaphore_mem>>) src(%dma_wait3A_239 : memref<100000xf32, #tpu.memory_space<hbm>>) dst(%arg5 : memref<100000xf32, #tpu.memory_space<vmem>>)
        tpu.yield
      }) : () -> ()
      %dma_start3A = arith.constant 0 : i32
      %dma_start3A_10 = arith.constant 0 : i32
      %dma_start3A_11 = arith.constant 0 : i32
      %dma_start3A_12 = tpu.memref_slice %arg6[%dma_start3A, %dma_start3A_10, %dma_start3A_11] : memref<4x1x4096xi32, #tpu.memory_space<vmem>> -> memref<1x1x4096xi32, #tpu.memory_space<vmem>>
      %dma_start3A_13 = tpu.memref_squeeze %dma_start3A_12 : memref<1x1x4096xi32, #tpu.memory_space<vmem>> -> memref<1x4096xi32, #tpu.memory_space<vmem>>
      %dma_start3A_14 = arith.constant 0 : i32
      %dma_start3A_15 = arith.constant 0 : i32
      %dma_start3A_16 = tpu.memref_slice %arg2[%dma_start3A_14, %dma_start3A_15] : memref<50x4096xi32, #tpu.memory_space<hbm>> -> memref<1x4096xi32, #tpu.memory_space<hbm>>
      %dma_start3A_17 = arith.constant 0 : i32
      %dma_start3A_18 = arith.constant 0 : i32
      %dma_start3A_19 = tpu.memref_slice %arg6[%dma_start3A, %dma_start3A_17, %dma_start3A_18] : memref<4x1x4096xi32, #tpu.memory_space<vmem>> -> memref<1x1x4096xi32, #tpu.memory_space<vmem>>
      %dma_start3A_20 = tpu.memref_squeeze %dma_start3A_19 : memref<1x1x4096xi32, #tpu.memory_space<vmem>> -> memref<1x4096xi32, #tpu.memory_space<vmem>>
      %dma_start3A_21 = arith.constant 0 : i32
      %dma_start3A_22 = arith.constant 0 : i32
      %dma_start3A_23 = tpu.memref_slice %arg2[%dma_start3A_21, %dma_start3A_22] : memref<50x4096xi32, #tpu.memory_space<hbm>> -> memref<1x4096xi32, #tpu.memory_space<hbm>>
      tpu.enqueue_dma source(%dma_start3A_23 : memref<1x4096xi32, #tpu.memory_space<hbm>>) target(%dma_start3A_20 : memref<1x4096xi32, #tpu.memory_space<vmem>>) target_semaphore(%arg8 : memref<!tpu.dma_semaphore, #tpu.memory_space<semaphore_mem>>)
      %dma_start3A_24 = arith.constant 1 : i32
      %dma_start3A_25 = arith.constant 0 : i32
      %dma_start3A_26 = arith.constant 0 : i32
      %dma_start3A_27 = tpu.memref_slice %arg6[%dma_start3A_24, %dma_start3A_25, %dma_start3A_26] : memref<4x1x4096xi32, #tpu.memory_space<vmem>> -> memref<1x1x4096xi32, #tpu.memory_space<vmem>>
      %dma_start3A_28 = tpu.memref_squeeze %dma_start3A_27 : memref<1x1x4096xi32, #tpu.memory_space<vmem>> -> memref<1x4096xi32, #tpu.memory_space<vmem>>
      %dma_start3A_29 = arith.constant 1 : i32
      %dma_start3A_30 = arith.constant 0 : i32
      %dma_start3A_31 = tpu.memref_slice %arg2[%dma_start3A_29, %dma_start3A_30] : memref<50x4096xi32, #tpu.memory_space<hbm>> -> memref<1x4096xi32, #tpu.memory_space<hbm>>
      %dma_start3A_32 = arith.constant 0 : i32
      %dma_start3A_33 = arith.constant 0 : i32
      %dma_start3A_34 = tpu.memref_slice %arg6[%dma_start3A_24, %dma_start3A_32, %dma_start3A_33] : memref<4x1x4096xi32, #tpu.memory_space<vmem>> -> memref<1x1x4096xi32, #tpu.memory_space<vmem>>
      %dma_start3A_35 = tpu.memref_squeeze %dma_start3A_34 : memref<1x1x4096xi32, #tpu.memory_space<vmem>> -> memref<1x4096xi32, #tpu.memory_space<vmem>>
      %dma_start3A_36 = arith.constant 1 : i32
      %dma_start3A_37 = arith.constant 0 : i32
      %dma_start3A_38 = tpu.memref_slice %arg2[%dma_start3A_36, %dma_start3A_37] : memref<50x4096xi32, #tpu.memory_space<hbm>> -> memref<1x4096xi32, #tpu.memory_space<hbm>>
      tpu.enqueue_dma source(%dma_start3A_38 : memref<1x4096xi32, #tpu.memory_space<hbm>>) target(%dma_start3A_35 : memref<1x4096xi32, #tpu.memory_space<vmem>>) target_semaphore(%arg9 : memref<!tpu.dma_semaphore, #tpu.memory_space<semaphore_mem>>)
      %dma_start3A_39 = arith.constant 2 : i32
      %dma_start3A_40 = arith.constant 0 : i32
      %dma_start3A_41 = arith.constant 0 : i32
      %dma_start3A_42 = tpu.memref_slice %arg6[%dma_start3A_39, %dma_start3A_40, %dma_start3A_41] : memref<4x1x4096xi32, #tpu.memory_space<vmem>> -> memref<1x1x4096xi32, #tpu.memory_space<vmem>>
      %dma_start3A_43 = tpu.memref_squeeze %dma_start3A_42 : memref<1x1x4096xi32, #tpu.memory_space<vmem>> -> memref<1x4096xi32, #tpu.memory_space<vmem>>
      %dma_start3A_44 = arith.constant 2 : i32
      %dma_start3A_45 = arith.constant 0 : i32
      %dma_start3A_46 = tpu.memref_slice %arg2[%dma_start3A_44, %dma_start3A_45] : memref<50x4096xi32, #tpu.memory_space<hbm>> -> memref<1x4096xi32, #tpu.memory_space<hbm>>
      %dma_start3A_47 = arith.constant 0 : i32
      %dma_start3A_48 = arith.constant 0 : i32
      %dma_start3A_49 = tpu.memref_slice %arg6[%dma_start3A_39, %dma_start3A_47, %dma_start3A_48] : memref<4x1x4096xi32, #tpu.memory_space<vmem>> -> memref<1x1x4096xi32, #tpu.memory_space<vmem>>
      %dma_start3A_50 = tpu.memref_squeeze %dma_start3A_49 : memref<1x1x4096xi32, #tpu.memory_space<vmem>> -> memref<1x4096xi32, #tpu.memory_space<vmem>>
      %dma_start3A_51 = arith.constant 2 : i32
      %dma_start3A_52 = arith.constant 0 : i32
      %dma_start3A_53 = tpu.memref_slice %arg2[%dma_start3A_51, %dma_start3A_52] : memref<50x4096xi32, #tpu.memory_space<hbm>> -> memref<1x4096xi32, #tpu.memory_space<hbm>>
      tpu.enqueue_dma source(%dma_start3A_53 : memref<1x4096xi32, #tpu.memory_space<hbm>>) target(%dma_start3A_50 : memref<1x4096xi32, #tpu.memory_space<vmem>>) target_semaphore(%arg10 : memref<!tpu.dma_semaphore, #tpu.memory_space<semaphore_mem>>)
      %dma_start3A_54 = arith.constant 3 : i32
      %dma_start3A_55 = arith.constant 0 : i32
      %dma_start3A_56 = arith.constant 0 : i32
      %dma_start3A_57 = tpu.memref_slice %arg6[%dma_start3A_54, %dma_start3A_55, %dma_start3A_56] : memref<4x1x4096xi32, #tpu.memory_space<vmem>> -> memref<1x1x4096xi32, #tpu.memory_space<vmem>>
      %dma_start3A_58 = tpu.memref_squeeze %dma_start3A_57 : memref<1x1x4096xi32, #tpu.memory_space<vmem>> -> memref<1x4096xi32, #tpu.memory_space<vmem>>
      %dma_start3A_59 = arith.constant 3 : i32
      %dma_start3A_60 = arith.constant 0 : i32
      %dma_start3A_61 = tpu.memref_slice %arg2[%dma_start3A_59, %dma_start3A_60] : memref<50x4096xi32, #tpu.memory_space<hbm>> -> memref<1x4096xi32, #tpu.memory_space<hbm>>
      %dma_start3A_62 = arith.constant 0 : i32
      %dma_start3A_63 = arith.constant 0 : i32
      %dma_start3A_64 = tpu.memref_slice %arg6[%dma_start3A_54, %dma_start3A_62, %dma_start3A_63] : memref<4x1x4096xi32, #tpu.memory_space<vmem>> -> memref<1x1x4096xi32, #tpu.memory_space<vmem>>
      %dma_start3A_65 = tpu.memref_squeeze %dma_start3A_64 : memref<1x1x4096xi32, #tpu.memory_space<vmem>> -> memref<1x4096xi32, #tpu.memory_space<vmem>>
      %dma_start3A_66 = arith.constant 3 : i32
      %dma_start3A_67 = arith.constant 0 : i32
      %dma_start3A_68 = tpu.memref_slice %arg2[%dma_start3A_66, %dma_start3A_67] : memref<50x4096xi32, #tpu.memory_space<hbm>> -> memref<1x4096xi32, #tpu.memory_space<hbm>>
      tpu.enqueue_dma source(%dma_start3A_68 : memref<1x4096xi32, #tpu.memory_space<hbm>>) target(%dma_start3A_65 : memref<1x4096xi32, #tpu.memory_space<vmem>>) target_semaphore(%arg11 : memref<!tpu.dma_semaphore, #tpu.memory_space<semaphore_mem>>)
      %scan3A_69 = arith.constant 0 : i32
      %scan3A_70 = arith.constant 0 : i32
      %scan3A_71 = arith.constant 12 : i32
      %scan3A_72 = arith.addi %scan3A_70, %scan3A_71 : i32
      %scan3A_73 = arith.constant 1 : i32
      scf.for %scan3A_228 = %scan3A_70 to %scan3A_72 step %scan3A_73  : i32 {
        %mul3A_229 = arith.constant 4 : i32
        %mul3A_230 = arith.muli %scan3A_228, %mul3A_229 : i32
        %add3A_231 = arith.constant 0 : i32
        %add3A_232 = arith.addi %mul3A_230, %add3A_231 : i32
        %dma_wait3A_233 = arith.constant 0 : i32
        %dma_wait3A_234 = arith.constant 0 : i32
        %dma_wait3A_235 = arith.constant 0 : i32
        %dma_wait3A_236 = tpu.memref_slice %arg6[%dma_wait3A_233, %dma_wait3A_234, %dma_wait3A_235] : memref<4x1x4096xi32, #tpu.memory_space<vmem>> -> memref<1x1x4096xi32, #tpu.memory_space<vmem>>
        %dma_wait3A_237 = tpu.memref_squeeze %dma_wait3A_236 : memref<1x1x4096xi32, #tpu.memory_space<vmem>> -> memref<1x4096xi32, #tpu.memory_space<vmem>>
        %dma_wait3A_238 = arith.constant 0 : i32
        %dma_wait3A_239 = tpu.memref_slice %arg2[%add3A_232, %dma_wait3A_238] : memref<50x4096xi32, #tpu.memory_space<hbm>> -> memref<1x4096xi32, #tpu.memory_space<hbm>>
        %dma_wait3A_240 = arith.constant 0 : i32
        %dma_wait3A_241 = arith.constant 0 : i32
        %dma_wait3A_242 = tpu.memref_slice %arg6[%dma_wait3A_233, %dma_wait3A_240, %dma_wait3A_241] : memref<4x1x4096xi32, #tpu.memory_space<vmem>> -> memref<1x1x4096xi32, #tpu.memory_space<vmem>>
        %dma_wait3A_243 = tpu.memref_squeeze %dma_wait3A_242 : memref<1x1x4096xi32, #tpu.memory_space<vmem>> -> memref<1x4096xi32, #tpu.memory_space<vmem>>
        %dma_wait3A_244 = arith.constant 0 : i32
        %dma_wait3A_245 = tpu.memref_slice %arg2[%add3A_232, %dma_wait3A_244] : memref<50x4096xi32, #tpu.memory_space<hbm>> -> memref<1x4096xi32, #tpu.memory_space<hbm>>
        tpu.wait_dma2 semaphore(%arg8 : memref<!tpu.dma_semaphore, #tpu.memory_space<semaphore_mem>>) src(%dma_wait3A_245 : memref<1x4096xi32, #tpu.memory_space<hbm>>) dst(%dma_wait3A_243 : memref<1x4096xi32, #tpu.memory_space<vmem>>)
        %gt3A = arith.constant 0 : i32
        %gt3A_246 = arith.cmpi sgt, %scan3A_228, %gt3A : i32
        %convert_element_type3A = arith.extui %gt3A_246 : i1 to i32
        %cond3A = arith.constant 0 : i32
        %cond3A_247 = arith.cmpi ne, %convert_element_type3A, %cond3A : i32
        scf.if %cond3A_247 {
          %sub3A_468 = arith.constant 2 : i32
          %sub3A_469 = arith.subi %add3A_232, %sub3A_468 : i32
          %dma_wait3A_470 = arith.constant 0 : i32
          %dma_wait3A_471 = arith.constant 0 : i32
          %dma_wait3A_472 = arith.constant 0 : i32
          %dma_wait3A_473 = arith.constant 0 : i32
          %dma_wait3A_474 = tpu.memref_slice %arg7[%dma_wait3A_470, %dma_wait3A_471, %dma_wait3A_472, %dma_wait3A_473] : memref<2x1x1x4096xf32, #tpu.memory_space<vmem>> -> memref<1x1x1x4096xf32, #tpu.memory_space<vmem>>
          %dma_wait3A_475 = tpu.memref_squeeze %dma_wait3A_474 : memref<1x1x1x4096xf32, #tpu.memory_space<vmem>> -> memref<1x1x4096xf32, #tpu.memory_space<vmem>>
          %dma_wait3A_476 = arith.constant 0 : i32
          %dma_wait3A_477 = tpu.memref_slice %arg4[%sub3A_469, %add3A_9, %dma_wait3A_476] : memref<50x64x4096xf32, #tpu.memory_space<hbm>> -> memref<1x1x4096xf32, #tpu.memory_space<hbm>>
          %dma_wait3A_478 = arith.constant 0 : i32
          %dma_wait3A_479 = tpu.memref_slice %arg4[%sub3A_469, %add3A_9, %dma_wait3A_478] : memref<50x64x4096xf32, #tpu.memory_space<hbm>> -> memref<1x1x4096xf32, #tpu.memory_space<hbm>>
          %dma_wait3A_480 = arith.constant 0 : i32
          %dma_wait3A_481 = arith.constant 0 : i32
          %dma_wait3A_482 = arith.constant 0 : i32
          %dma_wait3A_483 = tpu.memref_slice %arg7[%dma_wait3A_470, %dma_wait3A_480, %dma_wait3A_481, %dma_wait3A_482] : memref<2x1x1x4096xf32, #tpu.memory_space<vmem>> -> memref<1x1x1x4096xf32, #tpu.memory_space<vmem>>
          %dma_wait3A_484 = tpu.memref_squeeze %dma_wait3A_483 : memref<1x1x1x4096xf32, #tpu.memory_space<vmem>> -> memref<1x1x4096xf32, #tpu.memory_space<vmem>>
          tpu.wait_dma2 semaphore(%arg12 : memref<!tpu.dma_semaphore, #tpu.memory_space<semaphore_mem>>) src(%dma_wait3A_484 : memref<1x1x4096xf32, #tpu.memory_space<vmem>>) dst(%dma_wait3A_479 : memref<1x1x4096xf32, #tpu.memory_space<hbm>>)
        } else {
        }
        %scan3A_248 = arith.constant 0 : i32
        %scan3A_249 = arith.constant 0 : i32
        %scan3A_250 = arith.constant 0 : i32
        %scan3A_251 = arith.constant 0 : i32
        %scan3A_252 = arith.constant 0 : i32
        %scan3A_253 = arith.constant 0 : i32
        %scan3A_254 = arith.constant 0 : i32
        %scan3A_255 = arith.constant 32 : i32
        %scan3A_256 = arith.addi %scan3A_254, %scan3A_255 : i32
        %scan3A_257 = arith.constant 1 : i32
        scf.for %scan3A_468 = %scan3A_254 to %scan3A_256 step %scan3A_257  : i32 {
          %mul3A_469 = arith.constant 8 : i32
          %mul3A_470 = arith.muli %scan3A_468, %mul3A_469 : i32
          %add3A_471 = arith.constant 0 : i32
          %add3A_472 = arith.addi %mul3A_470, %add3A_471 : i32
          %mul3A_473 = arith.constant 16 : i32
          %mul3A_474 = arith.muli %add3A_472, %mul3A_473 : i32
          %mul3A_475 = arith.constant 8 : i32
          %mul3A_476 = arith.muli %scan3A_468, %mul3A_475 : i32
          %add3A_477 = arith.constant 1 : i32
          %add3A_478 = arith.addi %mul3A_476, %add3A_477 : i32
          %mul3A_479 = arith.constant 16 : i32
          %mul3A_480 = arith.muli %add3A_478, %mul3A_479 : i32
          %mul3A_481 = arith.constant 8 : i32
          %mul3A_482 = arith.muli %scan3A_468, %mul3A_481 : i32
          %add3A_483 = arith.constant 2 : i32
          %add3A_484 = arith.addi %mul3A_482, %add3A_483 : i32
          %mul3A_485 = arith.constant 16 : i32
          %mul3A_486 = arith.muli %add3A_484, %mul3A_485 : i32
          %mul3A_487 = arith.constant 8 : i32
          %mul3A_488 = arith.muli %scan3A_468, %mul3A_487 : i32
          %add3A_489 = arith.constant 3 : i32
          %add3A_490 = arith.addi %mul3A_488, %add3A_489 : i32
          %mul3A_491 = arith.constant 16 : i32
          %mul3A_492 = arith.muli %add3A_490, %mul3A_491 : i32
          %mul3A_493 = arith.constant 8 : i32
          %mul3A_494 = arith.muli %scan3A_468, %mul3A_493 : i32
          %add3A_495 = arith.constant 4 : i32
          %add3A_496 = arith.addi %mul3A_494, %add3A_495 : i32
          %mul3A_497 = arith.constant 16 : i32
          %mul3A_498 = arith.muli %add3A_496, %mul3A_497 : i32
          %mul3A_499 = arith.constant 8 : i32
          %mul3A_500 = arith.muli %scan3A_468, %mul3A_499 : i32
          %add3A_501 = arith.constant 5 : i32
          %add3A_502 = arith.addi %mul3A_500, %add3A_501 : i32
          %mul3A_503 = arith.constant 16 : i32
          %mul3A_504 = arith.muli %add3A_502, %mul3A_503 : i32
          %mul3A_505 = arith.constant 8 : i32
          %mul3A_506 = arith.muli %scan3A_468, %mul3A_505 : i32
          %add3A_507 = arith.constant 6 : i32
          %add3A_508 = arith.addi %mul3A_506, %add3A_507 : i32
          %mul3A_509 = arith.constant 16 : i32
          %mul3A_510 = arith.muli %add3A_508, %mul3A_509 : i32
          %mul3A_511 = arith.constant 8 : i32
          %mul3A_512 = arith.muli %scan3A_468, %mul3A_511 : i32
          %add3A_513 = arith.constant 7 : i32
          %add3A_514 = arith.addi %mul3A_512, %add3A_513 : i32
          %mul3A_515 = arith.constant 16 : i32
          %mul3A_516 = arith.muli %add3A_514, %mul3A_515 : i32
          %get3A = arith.constant 0 : i32
          %get3A_517 = tpu.memref_slice %arg6[%scan3A_249, %scan3A_250, %get3A] : memref<4x1x4096xi32, #tpu.memory_space<vmem>> -> memref<1x1x4096xi32, #tpu.memory_space<vmem>>
          %get3A_518 = tpu.memref_squeeze %get3A_517 : memref<1x1x4096xi32, #tpu.memory_space<vmem>> -> memref<4096xi32, #tpu.memory_space<vmem>>
          %get3A_519 = arith.index_cast %mul3A_474 : i32 to index
          %get3A_520 = tpu.vector_load %get3A_518[%get3A_519] {strides = array<i32>} : memref<4096xi32, #tpu.memory_space<vmem>>, vector<16xi32>,
          %get3A_521 = arith.constant 0 : i32
          %get3A_522 = tpu.memref_slice %arg6[%scan3A_249, %scan3A_250, %get3A_521] : memref<4x1x4096xi32, #tpu.memory_space<vmem>> -> memref<1x1x4096xi32, #tpu.memory_space<vmem>>
          %get3A_523 = tpu.memref_squeeze %get3A_522 : memref<1x1x4096xi32, #tpu.memory_space<vmem>> -> memref<4096xi32, #tpu.memory_space<vmem>>
          %get3A_524 = arith.index_cast %mul3A_480 : i32 to index
          %get3A_525 = tpu.vector_load %get3A_523[%get3A_524] {strides = array<i32>} : memref<4096xi32, #tpu.memory_space<vmem>>, vector<16xi32>,
          %get3A_526 = arith.constant 0 : i32
          %get3A_527 = tpu.memref_slice %arg6[%scan3A_249, %scan3A_250, %get3A_526] : memref<4x1x4096xi32, #tpu.memory_space<vmem>> -> memref<1x1x4096xi32, #tpu.memory_space<vmem>>
          %get3A_528 = tpu.memref_squeeze %get3A_527 : memref<1x1x4096xi32, #tpu.memory_space<vmem>> -> memref<4096xi32, #tpu.memory_space<vmem>>
          %get3A_529 = arith.index_cast %mul3A_486 : i32 to index
          %get3A_530 = tpu.vector_load %get3A_528[%get3A_529] {strides = array<i32>} : memref<4096xi32, #tpu.memory_space<vmem>>, vector<16xi32>,
          %get3A_531 = arith.constant 0 : i32
          %get3A_532 = tpu.memref_slice %arg6[%scan3A_249, %scan3A_250, %get3A_531] : memref<4x1x4096xi32, #tpu.memory_space<vmem>> -> memref<1x1x4096xi32, #tpu.memory_space<vmem>>
          %get3A_533 = tpu.memref_squeeze %get3A_532 : memref<1x1x4096xi32, #tpu.memory_space<vmem>> -> memref<4096xi32, #tpu.memory_space<vmem>>
          %get3A_534 = arith.index_cast %mul3A_492 : i32 to index
          %get3A_535 = tpu.vector_load %get3A_533[%get3A_534] {strides = array<i32>} : memref<4096xi32, #tpu.memory_space<vmem>>, vector<16xi32>,
          %get3A_536 = arith.constant 0 : i32
          %get3A_537 = tpu.memref_slice %arg6[%scan3A_249, %scan3A_250, %get3A_536] : memref<4x1x4096xi32, #tpu.memory_space<vmem>> -> memref<1x1x4096xi32, #tpu.memory_space<vmem>>
          %get3A_538 = tpu.memref_squeeze %get3A_537 : memref<1x1x4096xi32, #tpu.memory_space<vmem>> -> memref<4096xi32, #tpu.memory_space<vmem>>
          %get3A_539 = arith.index_cast %mul3A_498 : i32 to index
          %get3A_540 = tpu.vector_load %get3A_538[%get3A_539] {strides = array<i32>} : memref<4096xi32, #tpu.memory_space<vmem>>, vector<16xi32>,
          %get3A_541 = arith.constant 0 : i32
          %get3A_542 = tpu.memref_slice %arg6[%scan3A_249, %scan3A_250, %get3A_541] : memref<4x1x4096xi32, #tpu.memory_space<vmem>> -> memref<1x1x4096xi32, #tpu.memory_space<vmem>>
          %get3A_543 = tpu.memref_squeeze %get3A_542 : memref<1x1x4096xi32, #tpu.memory_space<vmem>> -> memref<4096xi32, #tpu.memory_space<vmem>>
          %get3A_544 = arith.index_cast %mul3A_504 : i32 to index
          %get3A_545 = tpu.vector_load %get3A_543[%get3A_544] {strides = array<i32>} : memref<4096xi32, #tpu.memory_space<vmem>>, vector<16xi32>,
          %get3A_546 = arith.constant 0 : i32
          %get3A_547 = tpu.memref_slice %arg6[%scan3A_249, %scan3A_250, %get3A_546] : memref<4x1x4096xi32, #tpu.memory_space<vmem>> -> memref<1x1x4096xi32, #tpu.memory_space<vmem>>
          %get3A_548 = tpu.memref_squeeze %get3A_547 : memref<1x1x4096xi32, #tpu.memory_space<vmem>> -> memref<4096xi32, #tpu.memory_space<vmem>>
          %get3A_549 = arith.index_cast %mul3A_510 : i32 to index
          %get3A_550 = tpu.vector_load %get3A_548[%get3A_549] {strides = array<i32>} : memref<4096xi32, #tpu.memory_space<vmem>>, vector<16xi32>,
          %get3A_551 = arith.constant 0 : i32
          %get3A_552 = tpu.memref_slice %arg6[%scan3A_249, %scan3A_250, %get3A_551] : memref<4x1x4096xi32, #tpu.memory_space<vmem>> -> memref<1x1x4096xi32, #tpu.memory_space<vmem>>
          %get3A_553 = tpu.memref_squeeze %get3A_552 : memref<1x1x4096xi32, #tpu.memory_space<vmem>> -> memref<4096xi32, #tpu.memory_space<vmem>>
          %get3A_554 = arith.index_cast %mul3A_516 : i32 to index
          %get3A_555 = tpu.vector_load %get3A_553[%get3A_554] {strides = array<i32>} : memref<4096xi32, #tpu.memory_space<vmem>>, vector<16xi32>,
          %gather3A = tpu.vector_load_idx %arg5[%get3A_520] : memref<100000xf32, #tpu.memory_space<vmem>>[vector<16xi32>], vector<16xf32>,
          %gather3A_556 = tpu.vector_load_idx %arg5[%get3A_525] : memref<100000xf32, #tpu.memory_space<vmem>>[vector<16xi32>], vector<16xf32>,
          %gather3A_557 = tpu.vector_load_idx %arg5[%get3A_530] : memref<100000xf32, #tpu.memory_space<vmem>>[vector<16xi32>], vector<16xf32>,
          %gather3A_558 = tpu.vector_load_idx %arg5[%get3A_535] : memref<100000xf32, #tpu.memory_space<vmem>>[vector<16xi32>], vector<16xf32>,
          %gather3A_559 = tpu.vector_load_idx %arg5[%get3A_540] : memref<100000xf32, #tpu.memory_space<vmem>>[vector<16xi32>], vector<16xf32>,
          %gather3A_560 = tpu.vector_load_idx %arg5[%get3A_545] : memref<100000xf32, #tpu.memory_space<vmem>>[vector<16xi32>], vector<16xf32>,
          %gather3A_561 = tpu.vector_load_idx %arg5[%get3A_550] : memref<100000xf32, #tpu.memory_space<vmem>>[vector<16xi32>], vector<16xf32>,
          %gather3A_562 = tpu.vector_load_idx %arg5[%get3A_555] : memref<100000xf32, #tpu.memory_space<vmem>>[vector<16xi32>], vector<16xf32>,
          %swap3A = arith.constant 0 : i32
          %swap3A_563 = tpu.memref_slice %arg7[%scan3A_251, %scan3A_252, %scan3A_253, %swap3A] : memref<2x1x1x4096xf32, #tpu.memory_space<vmem>> -> memref<1x1x1x4096xf32, #tpu.memory_space<vmem>>
          %swap3A_564 = tpu.memref_squeeze %swap3A_563 : memref<1x1x1x4096xf32, #tpu.memory_space<vmem>> -> memref<4096xf32, #tpu.memory_space<vmem>>
          %swap3A_565 = arith.index_cast %mul3A_474 : i32 to index
          %swap3A_566 = tpu.vector_load %swap3A_564[%swap3A_565] {strides = array<i32>} : memref<4096xf32, #tpu.memory_space<vmem>>, vector<16xf32>,
          tpu.vector_store %swap3A_564[%swap3A_565], %gather3A {strides = array<i32>} : memref<4096xf32, #tpu.memory_space<vmem>>, vector<16xf32>,
          %swap3A_567 = arith.constant 0 : i32
          %swap3A_568 = tpu.memref_slice %arg7[%scan3A_251, %scan3A_252, %scan3A_253, %swap3A_567] : memref<2x1x1x4096xf32, #tpu.memory_space<vmem>> -> memref<1x1x1x4096xf32, #tpu.memory_space<vmem>>
          %swap3A_569 = tpu.memref_squeeze %swap3A_568 : memref<1x1x1x4096xf32, #tpu.memory_space<vmem>> -> memref<4096xf32, #tpu.memory_space<vmem>>
          %swap3A_570 = arith.index_cast %mul3A_480 : i32 to index
          %swap3A_571 = tpu.vector_load %swap3A_569[%swap3A_570] {strides = array<i32>} : memref<4096xf32, #tpu.memory_space<vmem>>, vector<16xf32>,
          tpu.vector_store %swap3A_569[%swap3A_570], %gather3A_556 {strides = array<i32>} : memref<4096xf32, #tpu.memory_space<vmem>>, vector<16xf32>,
          %swap3A_572 = arith.constant 0 : i32
          %swap3A_573 = tpu.memref_slice %arg7[%scan3A_251, %scan3A_252, %scan3A_253, %swap3A_572] : memref<2x1x1x4096xf32, #tpu.memory_space<vmem>> -> memref<1x1x1x4096xf32, #tpu.memory_space<vmem>>
          %swap3A_574 = tpu.memref_squeeze %swap3A_573 : memref<1x1x1x4096xf32, #tpu.memory_space<vmem>> -> memref<4096xf32, #tpu.memory_space<vmem>>
          %swap3A_575 = arith.index_cast %mul3A_486 : i32 to index
          %swap3A_576 = tpu.vector_load %swap3A_574[%swap3A_575] {strides = array<i32>} : memref<4096xf32, #tpu.memory_space<vmem>>, vector<16xf32>,
          tpu.vector_store %swap3A_574[%swap3A_575], %gather3A_557 {strides = array<i32>} : memref<4096xf32, #tpu.memory_space<vmem>>, vector<16xf32>,
          %swap3A_577 = arith.constant 0 : i32
          %swap3A_578 = tpu.memref_slice %arg7[%scan3A_251, %scan3A_252, %scan3A_253, %swap3A_577] : memref<2x1x1x4096xf32, #tpu.memory_space<vmem>> -> memref<1x1x1x4096xf32, #tpu.memory_space<vmem>>
          %swap3A_579 = tpu.memref_squeeze %swap3A_578 : memref<1x1x1x4096xf32, #tpu.memory_space<vmem>> -> memref<4096xf32, #tpu.memory_space<vmem>>
          %swap3A_580 = arith.index_cast %mul3A_492 : i32 to index
          %swap3A_581 = tpu.vector_load %swap3A_579[%swap3A_580] {strides = array<i32>} : memref<4096xf32, #tpu.memory_space<vmem>>, vector<16xf32>,
          tpu.vector_store %swap3A_579[%swap3A_580], %gather3A_558 {strides = array<i32>} : memref<4096xf32, #tpu.memory_space<vmem>>, vector<16xf32>,
          %swap3A_582 = arith.constant 0 : i32
          %swap3A_583 = tpu.memref_slice %arg7[%scan3A_251, %scan3A_252, %scan3A_253, %swap3A_582] : memref<2x1x1x4096xf32, #tpu.memory_space<vmem>> -> memref<1x1x1x4096xf32, #tpu.memory_space<vmem>>
          %swap3A_584 = tpu.memref_squeeze %swap3A_583 : memref<1x1x1x4096xf32, #tpu.memory_space<vmem>> -> memref<4096xf32, #tpu.memory_space<vmem>>
          %swap3A_585 = arith.index_cast %mul3A_498 : i32 to index
          %swap3A_586 = tpu.vector_load %swap3A_584[%swap3A_585] {strides = array<i32>} : memref<4096xf32, #tpu.memory_space<vmem>>, vector<16xf32>,
          tpu.vector_store %swap3A_584[%swap3A_585], %gather3A_559 {strides = array<i32>} : memref<4096xf32, #tpu.memory_space<vmem>>, vector<16xf32>,
          %swap3A_587 = arith.constant 0 : i32
          %swap3A_588 = tpu.memref_slice %arg7[%scan3A_251, %scan3A_252, %scan3A_253, %swap3A_587] : memref<2x1x1x4096xf32, #tpu.memory_space<vmem>> -> memref<1x1x1x4096xf32, #tpu.memory_space<vmem>>
          %swap3A_589 = tpu.memref_squeeze %swap3A_588 : memref<1x1x1x4096xf32, #tpu.memory_space<vmem>> -> memref<4096xf32, #tpu.memory_space<vmem>>
          %swap3A_590 = arith.index_cast %mul3A_504 : i32 to index
          %swap3A_591 = tpu.vector_load %swap3A_589[%swap3A_590] {strides = array<i32>} : memref<4096xf32, #tpu.memory_space<vmem>>, vector<16xf32>,
          tpu.vector_store %swap3A_589[%swap3A_590], %gather3A_560 {strides = array<i32>} : memref<4096xf32, #tpu.memory_space<vmem>>, vector<16xf32>,
          %swap3A_592 = arith.constant 0 : i32
          %swap3A_593 = tpu.memref_slice %arg7[%scan3A_251, %scan3A_252, %scan3A_253, %swap3A_592] : memref<2x1x1x4096xf32, #tpu.memory_space<vmem>> -> memref<1x1x1x4096xf32, #tpu.memory_space<vmem>>
          %swap3A_594 = tpu.memref_squeeze %swap3A_593 : memref<1x1x1x4096xf32, #tpu.memory_space<vmem>> -> memref<4096xf32, #tpu.memory_space<vmem>>
          %swap3A_595 = arith.index_cast %mul3A_510 : i32 to index
          %swap3A_596 = tpu.vector_load %swap3A_594[%swap3A_595] {strides = array<i32>} : memref<4096xf32, #tpu.memory_space<vmem>>, vector<16xf32>,
          tpu.vector_store %swap3A_594[%swap3A_595], %gather3A_561 {strides = array<i32>} : memref<4096xf32, #tpu.memory_space<vmem>>, vector<16xf32>,
          %swap3A_597 = arith.constant 0 : i32
          %swap3A_598 = tpu.memref_slice %arg7[%scan3A_251, %scan3A_252, %scan3A_253, %swap3A_597] : memref<2x1x1x4096xf32, #tpu.memory_space<vmem>> -> memref<1x1x1x4096xf32, #tpu.memory_space<vmem>>
          %swap3A_599 = tpu.memref_squeeze %swap3A_598 : memref<1x1x1x4096xf32, #tpu.memory_space<vmem>> -> memref<4096xf32, #tpu.memory_space<vmem>>
          %swap3A_600 = arith.index_cast %mul3A_516 : i32 to index
          %swap3A_601 = tpu.vector_load %swap3A_599[%swap3A_600] {strides = array<i32>} : memref<4096xf32, #tpu.memory_space<vmem>>, vector<16xf32>,
          tpu.vector_store %swap3A_599[%swap3A_600], %gather3A_562 {strides = array<i32>} : memref<4096xf32, #tpu.memory_space<vmem>>, vector<16xf32>,
        }
        %scan3A_258 = arith.constant 32 : i32
        %dma_start3A_259 = arith.constant 0 : i32
        %dma_start3A_260 = arith.constant 0 : i32
        %dma_start3A_261 = arith.constant 0 : i32
        %dma_start3A_262 = arith.constant 0 : i32
        %dma_start3A_263 = tpu.memref_slice %arg7[%dma_start3A_259, %dma_start3A_260, %dma_start3A_261, %dma_start3A_262] : memref<2x1x1x4096xf32, #tpu.memory_space<vmem>> -> memref<1x1x1x4096xf32, #tpu.memory_space<vmem>>
        %dma_start3A_264 = tpu.memref_squeeze %dma_start3A_263 : memref<1x1x1x4096xf32, #tpu.memory_space<vmem>> -> memref<1x1x4096xf32, #tpu.memory_space<vmem>>
        %dma_start3A_265 = arith.constant 0 : i32
        %dma_start3A_266 = tpu.memref_slice %arg4[%add3A_232, %add3A_9, %dma_start3A_265] : memref<50x64x4096xf32, #tpu.memory_space<hbm>> -> memref<1x1x4096xf32, #tpu.memory_space<hbm>>
        %dma_start3A_267 = arith.constant 0 : i32
        %dma_start3A_268 = tpu.memref_slice %arg4[%add3A_232, %add3A_9, %dma_start3A_267] : memref<50x64x4096xf32, #tpu.memory_space<hbm>> -> memref<1x1x4096xf32, #tpu.memory_space<hbm>>
        %dma_start3A_269 = arith.constant 0 : i32
        %dma_start3A_270 = arith.constant 0 : i32
        %dma_start3A_271 = arith.constant 0 : i32
        %dma_start3A_272 = tpu.memref_slice %arg7[%dma_start3A_259, %dma_start3A_269, %dma_start3A_270, %dma_start3A_271] : memref<2x1x1x4096xf32, #tpu.memory_space<vmem>> -> memref<1x1x1x4096xf32, #tpu.memory_space<vmem>>
        %dma_start3A_273 = tpu.memref_squeeze %dma_start3A_272 : memref<1x1x1x4096xf32, #tpu.memory_space<vmem>> -> memref<1x1x4096xf32, #tpu.memory_space<vmem>>
        tpu.enqueue_dma source(%dma_start3A_273 : memref<1x1x4096xf32, #tpu.memory_space<vmem>>) target(%dma_start3A_268 : memref<1x1x4096xf32, #tpu.memory_space<hbm>>) target_semaphore(%arg12 : memref<!tpu.dma_semaphore, #tpu.memory_space<semaphore_mem>>)
        %add3A_274 = arith.constant 4 : i32
        %add3A_275 = arith.addi %add3A_232, %add3A_274 : i32
        %lt3A = arith.constant 50 : i32
        %lt3A_276 = arith.cmpi slt, %add3A_275, %lt3A : i32
        %convert_element_type3A_277 = arith.extui %lt3A_276 : i1 to i32
        %cond3A_278 = arith.constant 0 : i32
        %cond3A_279 = arith.cmpi ne, %convert_element_type3A_277, %cond3A_278 : i32
        scf.if %cond3A_279 {
          %add3A_468 = arith.constant 4 : i32
          %add3A_469 = arith.addi %add3A_232, %add3A_468 : i32
          %dma_start3A_470 = arith.constant 0 : i32
          %dma_start3A_471 = arith.constant 0 : i32
          %dma_start3A_472 = arith.constant 0 : i32
          %dma_start3A_473 = tpu.memref_slice %arg6[%dma_start3A_470, %dma_start3A_471, %dma_start3A_472] : memref<4x1x4096xi32, #tpu.memory_space<vmem>> -> memref<1x1x4096xi32, #tpu.memory_space<vmem>>
          %dma_start3A_474 = tpu.memref_squeeze %dma_start3A_473 : memref<1x1x4096xi32, #tpu.memory_space<vmem>> -> memref<1x4096xi32, #tpu.memory_space<vmem>>
          %dma_start3A_475 = arith.constant 0 : i32
          %dma_start3A_476 = tpu.memref_slice %arg2[%add3A_469, %dma_start3A_475] : memref<50x4096xi32, #tpu.memory_space<hbm>> -> memref<1x4096xi32, #tpu.memory_space<hbm>>
          %dma_start3A_477 = arith.constant 0 : i32
          %dma_start3A_478 = arith.constant 0 : i32
          %dma_start3A_479 = tpu.memref_slice %arg6[%dma_start3A_470, %dma_start3A_477, %dma_start3A_478] : memref<4x1x4096xi32, #tpu.memory_space<vmem>> -> memref<1x1x4096xi32, #tpu.memory_space<vmem>>
          %dma_start3A_480 = tpu.memref_squeeze %dma_start3A_479 : memref<1x1x4096xi32, #tpu.memory_space<vmem>> -> memref<1x4096xi32, #tpu.memory_space<vmem>>
          %dma_start3A_481 = arith.constant 0 : i32
          %dma_start3A_482 = tpu.memref_slice %arg2[%add3A_469, %dma_start3A_481] : memref<50x4096xi32, #tpu.memory_space<hbm>> -> memref<1x4096xi32, #tpu.memory_space<hbm>>
          tpu.enqueue_dma source(%dma_start3A_482 : memref<1x4096xi32, #tpu.memory_space<hbm>>) target(%dma_start3A_480 : memref<1x4096xi32, #tpu.memory_space<vmem>>) target_semaphore(%arg8 : memref<!tpu.dma_semaphore, #tpu.memory_space<semaphore_mem>>)
        } else {
        }
        %mul3A_280 = arith.constant 4 : i32
        %mul3A_281 = arith.muli %scan3A_228, %mul3A_280 : i32
        %add3A_282 = arith.constant 1 : i32
        %add3A_283 = arith.addi %mul3A_281, %add3A_282 : i32
        %dma_wait3A_284 = arith.constant 1 : i32
        %dma_wait3A_285 = arith.constant 0 : i32
        %dma_wait3A_286 = arith.constant 0 : i32
        %dma_wait3A_287 = tpu.memref_slice %arg6[%dma_wait3A_284, %dma_wait3A_285, %dma_wait3A_286] : memref<4x1x4096xi32, #tpu.memory_space<vmem>> -> memref<1x1x4096xi32, #tpu.memory_space<vmem>>
        %dma_wait3A_288 = tpu.memref_squeeze %dma_wait3A_287 : memref<1x1x4096xi32, #tpu.memory_space<vmem>> -> memref<1x4096xi32, #tpu.memory_space<vmem>>
        %dma_wait3A_289 = arith.constant 0 : i32
        %dma_wait3A_290 = tpu.memref_slice %arg2[%add3A_283, %dma_wait3A_289] : memref<50x4096xi32, #tpu.memory_space<hbm>> -> memref<1x4096xi32, #tpu.memory_space<hbm>>
        %dma_wait3A_291 = arith.constant 0 : i32
        %dma_wait3A_292 = arith.constant 0 : i32
        %dma_wait3A_293 = tpu.memref_slice %arg6[%dma_wait3A_284, %dma_wait3A_291, %dma_wait3A_292] : memref<4x1x4096xi32, #tpu.memory_space<vmem>> -> memref<1x1x4096xi32, #tpu.memory_space<vmem>>
        %dma_wait3A_294 = tpu.memref_squeeze %dma_wait3A_293 : memref<1x1x4096xi32, #tpu.memory_space<vmem>> -> memref<1x4096xi32, #tpu.memory_space<vmem>>
        %dma_wait3A_295 = arith.constant 0 : i32
        %dma_wait3A_296 = tpu.memref_slice %arg2[%add3A_283, %dma_wait3A_295] : memref<50x4096xi32, #tpu.memory_space<hbm>> -> memref<1x4096xi32, #tpu.memory_space<hbm>>
        tpu.wait_dma2 semaphore(%arg9 : memref<!tpu.dma_semaphore, #tpu.memory_space<semaphore_mem>>) src(%dma_wait3A_296 : memref<1x4096xi32, #tpu.memory_space<hbm>>) dst(%dma_wait3A_294 : memref<1x4096xi32, #tpu.memory_space<vmem>>)
        %gt3A_297 = arith.constant 0 : i32
        %gt3A_298 = arith.cmpi sgt, %scan3A_228, %gt3A_297 : i32
        %convert_element_type3A_299 = arith.extui %gt3A_298 : i1 to i32
        %cond3A_300 = arith.constant 0 : i32
        %cond3A_301 = arith.cmpi ne, %convert_element_type3A_299, %cond3A_300 : i32
        scf.if %cond3A_301 {
          %sub3A_468 = arith.constant 2 : i32
          %sub3A_469 = arith.subi %add3A_283, %sub3A_468 : i32
          %dma_wait3A_470 = arith.constant 1 : i32
          %dma_wait3A_471 = arith.constant 0 : i32
          %dma_wait3A_472 = arith.constant 0 : i32
          %dma_wait3A_473 = arith.constant 0 : i32
          %dma_wait3A_474 = tpu.memref_slice %arg7[%dma_wait3A_470, %dma_wait3A_471, %dma_wait3A_472, %dma_wait3A_473] : memref<2x1x1x4096xf32, #tpu.memory_space<vmem>> -> memref<1x1x1x4096xf32, #tpu.memory_space<vmem>>
          %dma_wait3A_475 = tpu.memref_squeeze %dma_wait3A_474 : memref<1x1x1x4096xf32, #tpu.memory_space<vmem>> -> memref<1x1x4096xf32, #tpu.memory_space<vmem>>
          %dma_wait3A_476 = arith.constant 0 : i32
          %dma_wait3A_477 = tpu.memref_slice %arg4[%sub3A_469, %add3A_9, %dma_wait3A_476] : memref<50x64x4096xf32, #tpu.memory_space<hbm>> -> memref<1x1x4096xf32, #tpu.memory_space<hbm>>
          %dma_wait3A_478 = arith.constant 0 : i32
          %dma_wait3A_479 = tpu.memref_slice %arg4[%sub3A_469, %add3A_9, %dma_wait3A_478] : memref<50x64x4096xf32, #tpu.memory_space<hbm>> -> memref<1x1x4096xf32, #tpu.memory_space<hbm>>
          %dma_wait3A_480 = arith.constant 0 : i32
          %dma_wait3A_481 = arith.constant 0 : i32
          %dma_wait3A_482 = arith.constant 0 : i32
          %dma_wait3A_483 = tpu.memref_slice %arg7[%dma_wait3A_470, %dma_wait3A_480, %dma_wait3A_481, %dma_wait3A_482] : memref<2x1x1x4096xf32, #tpu.memory_space<vmem>> -> memref<1x1x1x4096xf32, #tpu.memory_space<vmem>>
          %dma_wait3A_484 = tpu.memref_squeeze %dma_wait3A_483 : memref<1x1x1x4096xf32, #tpu.memory_space<vmem>> -> memref<1x1x4096xf32, #tpu.memory_space<vmem>>
          tpu.wait_dma2 semaphore(%arg13 : memref<!tpu.dma_semaphore, #tpu.memory_space<semaphore_mem>>) src(%dma_wait3A_484 : memref<1x1x4096xf32, #tpu.memory_space<vmem>>) dst(%dma_wait3A_479 : memref<1x1x4096xf32, #tpu.memory_space<hbm>>)
        } else {
        }
        %scan3A_302 = arith.constant 0 : i32
        %scan3A_303 = arith.constant 1 : i32
        %scan3A_304 = arith.constant 0 : i32
        %scan3A_305 = arith.constant 1 : i32
        %scan3A_306 = arith.constant 0 : i32
        %scan3A_307 = arith.constant 0 : i32
        %scan3A_308 = arith.constant 0 : i32
        %scan3A_309 = arith.constant 32 : i32
        %scan3A_310 = arith.addi %scan3A_308, %scan3A_309 : i32
        %scan3A_311 = arith.constant 1 : i32
        scf.for %scan3A_468 = %scan3A_308 to %scan3A_310 step %scan3A_311  : i32 {
          %mul3A_469 = arith.constant 8 : i32
          %mul3A_470 = arith.muli %scan3A_468, %mul3A_469 : i32
          %add3A_471 = arith.constant 0 : i32
          %add3A_472 = arith.addi %mul3A_470, %add3A_471 : i32
          %mul3A_473 = arith.constant 16 : i32
          %mul3A_474 = arith.muli %add3A_472, %mul3A_473 : i32
          %mul3A_475 = arith.constant 8 : i32
          %mul3A_476 = arith.muli %scan3A_468, %mul3A_475 : i32
          %add3A_477 = arith.constant 1 : i32
          %add3A_478 = arith.addi %mul3A_476, %add3A_477 : i32
          %mul3A_479 = arith.constant 16 : i32
          %mul3A_480 = arith.muli %add3A_478, %mul3A_479 : i32
          %mul3A_481 = arith.constant 8 : i32
          %mul3A_482 = arith.muli %scan3A_468, %mul3A_481 : i32
          %add3A_483 = arith.constant 2 : i32
          %add3A_484 = arith.addi %mul3A_482, %add3A_483 : i32
          %mul3A_485 = arith.constant 16 : i32
          %mul3A_486 = arith.muli %add3A_484, %mul3A_485 : i32
          %mul3A_487 = arith.constant 8 : i32
          %mul3A_488 = arith.muli %scan3A_468, %mul3A_487 : i32
          %add3A_489 = arith.constant 3 : i32
          %add3A_490 = arith.addi %mul3A_488, %add3A_489 : i32
          %mul3A_491 = arith.constant 16 : i32
          %mul3A_492 = arith.muli %add3A_490, %mul3A_491 : i32
          %mul3A_493 = arith.constant 8 : i32
          %mul3A_494 = arith.muli %scan3A_468, %mul3A_493 : i32
          %add3A_495 = arith.constant 4 : i32
          %add3A_496 = arith.addi %mul3A_494, %add3A_495 : i32
          %mul3A_497 = arith.constant 16 : i32
          %mul3A_498 = arith.muli %add3A_496, %mul3A_497 : i32
          %mul3A_499 = arith.constant 8 : i32
          %mul3A_500 = arith.muli %scan3A_468, %mul3A_499 : i32
          %add3A_501 = arith.constant 5 : i32
          %add3A_502 = arith.addi %mul3A_500, %add3A_501 : i32
          %mul3A_503 = arith.constant 16 : i32
          %mul3A_504 = arith.muli %add3A_502, %mul3A_503 : i32
          %mul3A_505 = arith.constant 8 : i32
          %mul3A_506 = arith.muli %scan3A_468, %mul3A_505 : i32
          %add3A_507 = arith.constant 6 : i32
          %add3A_508 = arith.addi %mul3A_506, %add3A_507 : i32
          %mul3A_509 = arith.constant 16 : i32
          %mul3A_510 = arith.muli %add3A_508, %mul3A_509 : i32
          %mul3A_511 = arith.constant 8 : i32
          %mul3A_512 = arith.muli %scan3A_468, %mul3A_511 : i32
          %add3A_513 = arith.constant 7 : i32
          %add3A_514 = arith.addi %mul3A_512, %add3A_513 : i32
          %mul3A_515 = arith.constant 16 : i32
          %mul3A_516 = arith.muli %add3A_514, %mul3A_515 : i32
          %get3A = arith.constant 0 : i32
          %get3A_517 = tpu.memref_slice %arg6[%scan3A_303, %scan3A_304, %get3A] : memref<4x1x4096xi32, #tpu.memory_space<vmem>> -> memref<1x1x4096xi32, #tpu.memory_space<vmem>>
          %get3A_518 = tpu.memref_squeeze %get3A_517 : memref<1x1x4096xi32, #tpu.memory_space<vmem>> -> memref<4096xi32, #tpu.memory_space<vmem>>
          %get3A_519 = arith.index_cast %mul3A_474 : i32 to index
          %get3A_520 = tpu.vector_load %get3A_518[%get3A_519] {strides = array<i32>} : memref<4096xi32, #tpu.memory_space<vmem>>, vector<16xi32>,
          %get3A_521 = arith.constant 0 : i32
          %get3A_522 = tpu.memref_slice %arg6[%scan3A_303, %scan3A_304, %get3A_521] : memref<4x1x4096xi32, #tpu.memory_space<vmem>> -> memref<1x1x4096xi32, #tpu.memory_space<vmem>>
          %get3A_523 = tpu.memref_squeeze %get3A_522 : memref<1x1x4096xi32, #tpu.memory_space<vmem>> -> memref<4096xi32, #tpu.memory_space<vmem>>
          %get3A_524 = arith.index_cast %mul3A_480 : i32 to index
          %get3A_525 = tpu.vector_load %get3A_523[%get3A_524] {strides = array<i32>} : memref<4096xi32, #tpu.memory_space<vmem>>, vector<16xi32>,
          %get3A_526 = arith.constant 0 : i32
          %get3A_527 = tpu.memref_slice %arg6[%scan3A_303, %scan3A_304, %get3A_526] : memref<4x1x4096xi32, #tpu.memory_space<vmem>> -> memref<1x1x4096xi32, #tpu.memory_space<vmem>>
          %get3A_528 = tpu.memref_squeeze %get3A_527 : memref<1x1x4096xi32, #tpu.memory_space<vmem>> -> memref<4096xi32, #tpu.memory_space<vmem>>
          %get3A_529 = arith.index_cast %mul3A_486 : i32 to index
          %get3A_530 = tpu.vector_load %get3A_528[%get3A_529] {strides = array<i32>} : memref<4096xi32, #tpu.memory_space<vmem>>, vector<16xi32>,
          %get3A_531 = arith.constant 0 : i32
          %get3A_532 = tpu.memref_slice %arg6[%scan3A_303, %scan3A_304, %get3A_531] : memref<4x1x4096xi32, #tpu.memory_space<vmem>> -> memref<1x1x4096xi32, #tpu.memory_space<vmem>>
          %get3A_533 = tpu.memref_squeeze %get3A_532 : memref<1x1x4096xi32, #tpu.memory_space<vmem>> -> memref<4096xi32, #tpu.memory_space<vmem>>
          %get3A_534 = arith.index_cast %mul3A_492 : i32 to index
          %get3A_535 = tpu.vector_load %get3A_533[%get3A_534] {strides = array<i32>} : memref<4096xi32, #tpu.memory_space<vmem>>, vector<16xi32>,
          %get3A_536 = arith.constant 0 : i32
          %get3A_537 = tpu.memref_slice %arg6[%scan3A_303, %scan3A_304, %get3A_536] : memref<4x1x4096xi32, #tpu.memory_space<vmem>> -> memref<1x1x4096xi32, #tpu.memory_space<vmem>>
          %get3A_538 = tpu.memref_squeeze %get3A_537 : memref<1x1x4096xi32, #tpu.memory_space<vmem>> -> memref<4096xi32, #tpu.memory_space<vmem>>
          %get3A_539 = arith.index_cast %mul3A_498 : i32 to index
          %get3A_540 = tpu.vector_load %get3A_538[%get3A_539] {strides = array<i32>} : memref<4096xi32, #tpu.memory_space<vmem>>, vector<16xi32>,
          %get3A_541 = arith.constant 0 : i32
          %get3A_542 = tpu.memref_slice %arg6[%scan3A_303, %scan3A_304, %get3A_541] : memref<4x1x4096xi32, #tpu.memory_space<vmem>> -> memref<1x1x4096xi32, #tpu.memory_space<vmem>>
          %get3A_543 = tpu.memref_squeeze %get3A_542 : memref<1x1x4096xi32, #tpu.memory_space<vmem>> -> memref<4096xi32, #tpu.memory_space<vmem>>
          %get3A_544 = arith.index_cast %mul3A_504 : i32 to index
          %get3A_545 = tpu.vector_load %get3A_543[%get3A_544] {strides = array<i32>} : memref<4096xi32, #tpu.memory_space<vmem>>, vector<16xi32>,
          %get3A_546 = arith.constant 0 : i32
          %get3A_547 = tpu.memref_slice %arg6[%scan3A_303, %scan3A_304, %get3A_546] : memref<4x1x4096xi32, #tpu.memory_space<vmem>> -> memref<1x1x4096xi32, #tpu.memory_space<vmem>>
          %get3A_548 = tpu.memref_squeeze %get3A_547 : memref<1x1x4096xi32, #tpu.memory_space<vmem>> -> memref<4096xi32, #tpu.memory_space<vmem>>
          %get3A_549 = arith.index_cast %mul3A_510 : i32 to index
          %get3A_550 = tpu.vector_load %get3A_548[%get3A_549] {strides = array<i32>} : memref<4096xi32, #tpu.memory_space<vmem>>, vector<16xi32>,
          %get3A_551 = arith.constant 0 : i32
          %get3A_552 = tpu.memref_slice %arg6[%scan3A_303, %scan3A_304, %get3A_551] : memref<4x1x4096xi32, #tpu.memory_space<vmem>> -> memref<1x1x4096xi32, #tpu.memory_space<vmem>>
          %get3A_553 = tpu.memref_squeeze %get3A_552 : memref<1x1x4096xi32, #tpu.memory_space<vmem>> -> memref<4096xi32, #tpu.memory_space<vmem>>
          %get3A_554 = arith.index_cast %mul3A_516 : i32 to index
          %get3A_555 = tpu.vector_load %get3A_553[%get3A_554] {strides = array<i32>} : memref<4096xi32, #tpu.memory_space<vmem>>, vector<16xi32>,
          %gather3A = tpu.vector_load_idx %arg5[%get3A_520] : memref<100000xf32, #tpu.memory_space<vmem>>[vector<16xi32>], vector<16xf32>,
          %gather3A_556 = tpu.vector_load_idx %arg5[%get3A_525] : memref<100000xf32, #tpu.memory_space<vmem>>[vector<16xi32>], vector<16xf32>,
          %gather3A_557 = tpu.vector_load_idx %arg5[%get3A_530] : memref<100000xf32, #tpu.memory_space<vmem>>[vector<16xi32>], vector<16xf32>,
          %gather3A_558 = tpu.vector_load_idx %arg5[%get3A_535] : memref<100000xf32, #tpu.memory_space<vmem>>[vector<16xi32>], vector<16xf32>,
          %gather3A_559 = tpu.vector_load_idx %arg5[%get3A_540] : memref<100000xf32, #tpu.memory_space<vmem>>[vector<16xi32>], vector<16xf32>,
          %gather3A_560 = tpu.vector_load_idx %arg5[%get3A_545] : memref<100000xf32, #tpu.memory_space<vmem>>[vector<16xi32>], vector<16xf32>,
          %gather3A_561 = tpu.vector_load_idx %arg5[%get3A_550] : memref<100000xf32, #tpu.memory_space<vmem>>[vector<16xi32>], vector<16xf32>,
          %gather3A_562 = tpu.vector_load_idx %arg5[%get3A_555] : memref<100000xf32, #tpu.memory_space<vmem>>[vector<16xi32>], vector<16xf32>,
          %swap3A = arith.constant 0 : i32
          %swap3A_563 = tpu.memref_slice %arg7[%scan3A_305, %scan3A_306, %scan3A_307, %swap3A] : memref<2x1x1x4096xf32, #tpu.memory_space<vmem>> -> memref<1x1x1x4096xf32, #tpu.memory_space<vmem>>
          %swap3A_564 = tpu.memref_squeeze %swap3A_563 : memref<1x1x1x4096xf32, #tpu.memory_space<vmem>> -> memref<4096xf32, #tpu.memory_space<vmem>>
          %swap3A_565 = arith.index_cast %mul3A_474 : i32 to index
          %swap3A_566 = tpu.vector_load %swap3A_564[%swap3A_565] {strides = array<i32>} : memref<4096xf32, #tpu.memory_space<vmem>>, vector<16xf32>,
          tpu.vector_store %swap3A_564[%swap3A_565], %gather3A {strides = array<i32>} : memref<4096xf32, #tpu.memory_space<vmem>>, vector<16xf32>,
          %swap3A_567 = arith.constant 0 : i32
          %swap3A_568 = tpu.memref_slice %arg7[%scan3A_305, %scan3A_306, %scan3A_307, %swap3A_567] : memref<2x1x1x4096xf32, #tpu.memory_space<vmem>> -> memref<1x1x1x4096xf32, #tpu.memory_space<vmem>>
          %swap3A_569 = tpu.memref_squeeze %swap3A_568 : memref<1x1x1x4096xf32, #tpu.memory_space<vmem>> -> memref<4096xf32, #tpu.memory_space<vmem>>
          %swap3A_570 = arith.index_cast %mul3A_480 : i32 to index
          %swap3A_571 = tpu.vector_load %swap3A_569[%swap3A_570] {strides = array<i32>} : memref<4096xf32, #tpu.memory_space<vmem>>, vector<16xf32>,
          tpu.vector_store %swap3A_569[%swap3A_570], %gather3A_556 {strides = array<i32>} : memref<4096xf32, #tpu.memory_space<vmem>>, vector<16xf32>,
          %swap3A_572 = arith.constant 0 : i32
          %swap3A_573 = tpu.memref_slice %arg7[%scan3A_305, %scan3A_306, %scan3A_307, %swap3A_572] : memref<2x1x1x4096xf32, #tpu.memory_space<vmem>> -> memref<1x1x1x4096xf32, #tpu.memory_space<vmem>>
          %swap3A_574 = tpu.memref_squeeze %swap3A_573 : memref<1x1x1x4096xf32, #tpu.memory_space<vmem>> -> memref<4096xf32, #tpu.memory_space<vmem>>
          %swap3A_575 = arith.index_cast %mul3A_486 : i32 to index
          %swap3A_576 = tpu.vector_load %swap3A_574[%swap3A_575] {strides = array<i32>} : memref<4096xf32, #tpu.memory_space<vmem>>, vector<16xf32>,
          tpu.vector_store %swap3A_574[%swap3A_575], %gather3A_557 {strides = array<i32>} : memref<4096xf32, #tpu.memory_space<vmem>>, vector<16xf32>,
          %swap3A_577 = arith.constant 0 : i32
          %swap3A_578 = tpu.memref_slice %arg7[%scan3A_305, %scan3A_306, %scan3A_307, %swap3A_577] : memref<2x1x1x4096xf32, #tpu.memory_space<vmem>> -> memref<1x1x1x4096xf32, #tpu.memory_space<vmem>>
          %swap3A_579 = tpu.memref_squeeze %swap3A_578 : memref<1x1x1x4096xf32, #tpu.memory_space<vmem>> -> memref<4096xf32, #tpu.memory_space<vmem>>
          %swap3A_580 = arith.index_cast %mul3A_492 : i32 to index
          %swap3A_581 = tpu.vector_load %swap3A_579[%swap3A_580] {strides = array<i32>} : memref<4096xf32, #tpu.memory_space<vmem>>, vector<16xf32>,
          tpu.vector_store %swap3A_579[%swap3A_580], %gather3A_558 {strides = array<i32>} : memref<4096xf32, #tpu.memory_space<vmem>>, vector<16xf32>,
          %swap3A_582 = arith.constant 0 : i32
          %swap3A_583 = tpu.memref_slice %arg7[%scan3A_305, %scan3A_306, %scan3A_307, %swap3A_582] : memref<2x1x1x4096xf32, #tpu.memory_space<vmem>> -> memref<1x1x1x4096xf32, #tpu.memory_space<vmem>>
          %swap3A_584 = tpu.memref_squeeze %swap3A_583 : memref<1x1x1x4096xf32, #tpu.memory_space<vmem>> -> memref<4096xf32, #tpu.memory_space<vmem>>
          %swap3A_585 = arith.index_cast %mul3A_498 : i32 to index
          %swap3A_586 = tpu.vector_load %swap3A_584[%swap3A_585] {strides = array<i32>} : memref<4096xf32, #tpu.memory_space<vmem>>, vector<16xf32>,
          tpu.vector_store %swap3A_584[%swap3A_585], %gather3A_559 {strides = array<i32>} : memref<4096xf32, #tpu.memory_space<vmem>>, vector<16xf32>,
          %swap3A_587 = arith.constant 0 : i32
          %swap3A_588 = tpu.memref_slice %arg7[%scan3A_305, %scan3A_306, %scan3A_307, %swap3A_587] : memref<2x1x1x4096xf32, #tpu.memory_space<vmem>> -> memref<1x1x1x4096xf32, #tpu.memory_space<vmem>>
          %swap3A_589 = tpu.memref_squeeze %swap3A_588 : memref<1x1x1x4096xf32, #tpu.memory_space<vmem>> -> memref<4096xf32, #tpu.memory_space<vmem>>
          %swap3A_590 = arith.index_cast %mul3A_504 : i32 to index
          %swap3A_591 = tpu.vector_load %swap3A_589[%swap3A_590] {strides = array<i32>} : memref<4096xf32, #tpu.memory_space<vmem>>, vector<16xf32>,
          tpu.vector_store %swap3A_589[%swap3A_590], %gather3A_560 {strides = array<i32>} : memref<4096xf32, #tpu.memory_space<vmem>>, vector<16xf32>,
          %swap3A_592 = arith.constant 0 : i32
          %swap3A_593 = tpu.memref_slice %arg7[%scan3A_305, %scan3A_306, %scan3A_307, %swap3A_592] : memref<2x1x1x4096xf32, #tpu.memory_space<vmem>> -> memref<1x1x1x4096xf32, #tpu.memory_space<vmem>>
          %swap3A_594 = tpu.memref_squeeze %swap3A_593 : memref<1x1x1x4096xf32, #tpu.memory_space<vmem>> -> memref<4096xf32, #tpu.memory_space<vmem>>
          %swap3A_595 = arith.index_cast %mul3A_510 : i32 to index
          %swap3A_596 = tpu.vector_load %swap3A_594[%swap3A_595] {strides = array<i32>} : memref<4096xf32, #tpu.memory_space<vmem>>, vector<16xf32>,
          tpu.vector_store %swap3A_594[%swap3A_595], %gather3A_561 {strides = array<i32>} : memref<4096xf32, #tpu.memory_space<vmem>>, vector<16xf32>,
          %swap3A_597 = arith.constant 0 : i32
          %swap3A_598 = tpu.memref_slice %arg7[%scan3A_305, %scan3A_306, %scan3A_307, %swap3A_597] : memref<2x1x1x4096xf32, #tpu.memory_space<vmem>> -> memref<1x1x1x4096xf32, #tpu.memory_space<vmem>>
          %swap3A_599 = tpu.memref_squeeze %swap3A_598 : memref<1x1x1x4096xf32, #tpu.memory_space<vmem>> -> memref<4096xf32, #tpu.memory_space<vmem>>
          %swap3A_600 = arith.index_cast %mul3A_516 : i32 to index
          %swap3A_601 = tpu.vector_load %swap3A_599[%swap3A_600] {strides = array<i32>} : memref<4096xf32, #tpu.memory_space<vmem>>, vector<16xf32>,
          tpu.vector_store %swap3A_599[%swap3A_600], %gather3A_562 {strides = array<i32>} : memref<4096xf32, #tpu.memory_space<vmem>>, vector<16xf32>,
        }
        %scan3A_312 = arith.constant 32 : i32
        %dma_start3A_313 = arith.constant 1 : i32
        %dma_start3A_314 = arith.constant 0 : i32
        %dma_start3A_315 = arith.constant 0 : i32
        %dma_start3A_316 = arith.constant 0 : i32
        %dma_start3A_317 = tpu.memref_slice %arg7[%dma_start3A_313, %dma_start3A_314, %dma_start3A_315, %dma_start3A_316] : memref<2x1x1x4096xf32, #tpu.memory_space<vmem>> -> memref<1x1x1x4096xf32, #tpu.memory_space<vmem>>
        %dma_start3A_318 = tpu.memref_squeeze %dma_start3A_317 : memref<1x1x1x4096xf32, #tpu.memory_space<vmem>> -> memref<1x1x4096xf32, #tpu.memory_space<vmem>>
        %dma_start3A_319 = arith.constant 0 : i32
        %dma_start3A_320 = tpu.memref_slice %arg4[%add3A_283, %add3A_9, %dma_start3A_319] : memref<50x64x4096xf32, #tpu.memory_space<hbm>> -> memref<1x1x4096xf32, #tpu.memory_space<hbm>>
        %dma_start3A_321 = arith.constant 0 : i32
        %dma_start3A_322 = tpu.memref_slice %arg4[%add3A_283, %add3A_9, %dma_start3A_321] : memref<50x64x4096xf32, #tpu.memory_space<hbm>> -> memref<1x1x4096xf32, #tpu.memory_space<hbm>>
        %dma_start3A_323 = arith.constant 0 : i32
        %dma_start3A_324 = arith.constant 0 : i32
        %dma_start3A_325 = arith.constant 0 : i32
        %dma_start3A_326 = tpu.memref_slice %arg7[%dma_start3A_313, %dma_start3A_323, %dma_start3A_324, %dma_start3A_325] : memref<2x1x1x4096xf32, #tpu.memory_space<vmem>> -> memref<1x1x1x4096xf32, #tpu.memory_space<vmem>>
        %dma_start3A_327 = tpu.memref_squeeze %dma_start3A_326 : memref<1x1x1x4096xf32, #tpu.memory_space<vmem>> -> memref<1x1x4096xf32, #tpu.memory_space<vmem>>
        tpu.enqueue_dma source(%dma_start3A_327 : memref<1x1x4096xf32, #tpu.memory_space<vmem>>) target(%dma_start3A_322 : memref<1x1x4096xf32, #tpu.memory_space<hbm>>) target_semaphore(%arg13 : memref<!tpu.dma_semaphore, #tpu.memory_space<semaphore_mem>>)
        %add3A_328 = arith.constant 4 : i32
        %add3A_329 = arith.addi %add3A_283, %add3A_328 : i32
        %lt3A_330 = arith.constant 50 : i32
        %lt3A_331 = arith.cmpi slt, %add3A_329, %lt3A_330 : i32
        %convert_element_type3A_332 = arith.extui %lt3A_331 : i1 to i32
        %cond3A_333 = arith.constant 0 : i32
        %cond3A_334 = arith.cmpi ne, %convert_element_type3A_332, %cond3A_333 : i32
        scf.if %cond3A_334 {
          %add3A_468 = arith.constant 4 : i32
          %add3A_469 = arith.addi %add3A_283, %add3A_468 : i32
          %dma_start3A_470 = arith.constant 1 : i32
          %dma_start3A_471 = arith.constant 0 : i32
          %dma_start3A_472 = arith.constant 0 : i32
          %dma_start3A_473 = tpu.memref_slice %arg6[%dma_start3A_470, %dma_start3A_471, %dma_start3A_472] : memref<4x1x4096xi32, #tpu.memory_space<vmem>> -> memref<1x1x4096xi32, #tpu.memory_space<vmem>>
          %dma_start3A_474 = tpu.memref_squeeze %dma_start3A_473 : memref<1x1x4096xi32, #tpu.memory_space<vmem>> -> memref<1x4096xi32, #tpu.memory_space<vmem>>
          %dma_start3A_475 = arith.constant 0 : i32
          %dma_start3A_476 = tpu.memref_slice %arg2[%add3A_469, %dma_start3A_475] : memref<50x4096xi32, #tpu.memory_space<hbm>> -> memref<1x4096xi32, #tpu.memory_space<hbm>>
          %dma_start3A_477 = arith.constant 0 : i32
          %dma_start3A_478 = arith.constant 0 : i32
          %dma_start3A_479 = tpu.memref_slice %arg6[%dma_start3A_470, %dma_start3A_477, %dma_start3A_478] : memref<4x1x4096xi32, #tpu.memory_space<vmem>> -> memref<1x1x4096xi32, #tpu.memory_space<vmem>>
          %dma_start3A_480 = tpu.memref_squeeze %dma_start3A_479 : memref<1x1x4096xi32, #tpu.memory_space<vmem>> -> memref<1x4096xi32, #tpu.memory_space<vmem>>
          %dma_start3A_481 = arith.constant 0 : i32
          %dma_start3A_482 = tpu.memref_slice %arg2[%add3A_469, %dma_start3A_481] : memref<50x4096xi32, #tpu.memory_space<hbm>> -> memref<1x4096xi32, #tpu.memory_space<hbm>>
          tpu.enqueue_dma source(%dma_start3A_482 : memref<1x4096xi32, #tpu.memory_space<hbm>>) target(%dma_start3A_480 : memref<1x4096xi32, #tpu.memory_space<vmem>>) target_semaphore(%arg9 : memref<!tpu.dma_semaphore, #tpu.memory_space<semaphore_mem>>)
        } else {
        }
        %mul3A_335 = arith.constant 4 : i32
        %mul3A_336 = arith.muli %scan3A_228, %mul3A_335 : i32
        %add3A_337 = arith.constant 2 : i32
        %add3A_338 = arith.addi %mul3A_336, %add3A_337 : i32
        %dma_wait3A_339 = arith.constant 2 : i32
        %dma_wait3A_340 = arith.constant 0 : i32
        %dma_wait3A_341 = arith.constant 0 : i32
        %dma_wait3A_342 = tpu.memref_slice %arg6[%dma_wait3A_339, %dma_wait3A_340, %dma_wait3A_341] : memref<4x1x4096xi32, #tpu.memory_space<vmem>> -> memref<1x1x4096xi32, #tpu.memory_space<vmem>>
        %dma_wait3A_343 = tpu.memref_squeeze %dma_wait3A_342 : memref<1x1x4096xi32, #tpu.memory_space<vmem>> -> memref<1x4096xi32, #tpu.memory_space<vmem>>
        %dma_wait3A_344 = arith.constant 0 : i32
        %dma_wait3A_345 = tpu.memref_slice %arg2[%add3A_338, %dma_wait3A_344] : memref<50x4096xi32, #tpu.memory_space<hbm>> -> memref<1x4096xi32, #tpu.memory_space<hbm>>
        %dma_wait3A_346 = arith.constant 0 : i32
        %dma_wait3A_347 = arith.constant 0 : i32
        %dma_wait3A_348 = tpu.memref_slice %arg6[%dma_wait3A_339, %dma_wait3A_346, %dma_wait3A_347] : memref<4x1x4096xi32, #tpu.memory_space<vmem>> -> memref<1x1x4096xi32, #tpu.memory_space<vmem>>
        %dma_wait3A_349 = tpu.memref_squeeze %dma_wait3A_348 : memref<1x1x4096xi32, #tpu.memory_space<vmem>> -> memref<1x4096xi32, #tpu.memory_space<vmem>>
        %dma_wait3A_350 = arith.constant 0 : i32
        %dma_wait3A_351 = tpu.memref_slice %arg2[%add3A_338, %dma_wait3A_350] : memref<50x4096xi32, #tpu.memory_space<hbm>> -> memref<1x4096xi32, #tpu.memory_space<hbm>>
        tpu.wait_dma2 semaphore(%arg10 : memref<!tpu.dma_semaphore, #tpu.memory_space<semaphore_mem>>) src(%dma_wait3A_351 : memref<1x4096xi32, #tpu.memory_space<hbm>>) dst(%dma_wait3A_349 : memref<1x4096xi32, #tpu.memory_space<vmem>>)
        %sub3A = arith.constant 2 : i32
        %sub3A_352 = arith.subi %add3A_338, %sub3A : i32
        %dma_wait3A_353 = arith.constant 0 : i32
        %dma_wait3A_354 = arith.constant 0 : i32
        %dma_wait3A_355 = arith.constant 0 : i32
        %dma_wait3A_356 = arith.constant 0 : i32
        %dma_wait3A_357 = tpu.memref_slice %arg7[%dma_wait3A_353, %dma_wait3A_354, %dma_wait3A_355, %dma_wait3A_356] : memref<2x1x1x4096xf32, #tpu.memory_space<vmem>> -> memref<1x1x1x4096xf32, #tpu.memory_space<vmem>>
        %dma_wait3A_358 = tpu.memref_squeeze %dma_wait3A_357 : memref<1x1x1x4096xf32, #tpu.memory_space<vmem>> -> memref<1x1x4096xf32, #tpu.memory_space<vmem>>
        %dma_wait3A_359 = arith.constant 0 : i32
        %dma_wait3A_360 = tpu.memref_slice %arg4[%sub3A_352, %add3A_9, %dma_wait3A_359] : memref<50x64x4096xf32, #tpu.memory_space<hbm>> -> memref<1x1x4096xf32, #tpu.memory_space<hbm>>
        %dma_wait3A_361 = arith.constant 0 : i32
        %dma_wait3A_362 = tpu.memref_slice %arg4[%sub3A_352, %add3A_9, %dma_wait3A_361] : memref<50x64x4096xf32, #tpu.memory_space<hbm>> -> memref<1x1x4096xf32, #tpu.memory_space<hbm>>
        %dma_wait3A_363 = arith.constant 0 : i32
        %dma_wait3A_364 = arith.constant 0 : i32
        %dma_wait3A_365 = arith.constant 0 : i32
        %dma_wait3A_366 = tpu.memref_slice %arg7[%dma_wait3A_353, %dma_wait3A_363, %dma_wait3A_364, %dma_wait3A_365] : memref<2x1x1x4096xf32, #tpu.memory_space<vmem>> -> memref<1x1x1x4096xf32, #tpu.memory_space<vmem>>
        %dma_wait3A_367 = tpu.memref_squeeze %dma_wait3A_366 : memref<1x1x1x4096xf32, #tpu.memory_space<vmem>> -> memref<1x1x4096xf32, #tpu.memory_space<vmem>>
        tpu.wait_dma2 semaphore(%arg12 : memref<!tpu.dma_semaphore, #tpu.memory_space<semaphore_mem>>) src(%dma_wait3A_367 : memref<1x1x4096xf32, #tpu.memory_space<vmem>>) dst(%dma_wait3A_362 : memref<1x1x4096xf32, #tpu.memory_space<hbm>>)
        %scan3A_368 = arith.constant 0 : i32
        %scan3A_369 = arith.constant 2 : i32
        %scan3A_370 = arith.constant 0 : i32
        %scan3A_371 = arith.constant 0 : i32
        %scan3A_372 = arith.constant 0 : i32
        %scan3A_373 = arith.constant 0 : i32
        %scan3A_374 = arith.constant 0 : i32
        %scan3A_375 = arith.constant 32 : i32
        %scan3A_376 = arith.addi %scan3A_374, %scan3A_375 : i32
        %scan3A_377 = arith.constant 1 : i32
        scf.for %scan3A_468 = %scan3A_374 to %scan3A_376 step %scan3A_377  : i32 {
          %mul3A_469 = arith.constant 8 : i32
          %mul3A_470 = arith.muli %scan3A_468, %mul3A_469 : i32
          %add3A_471 = arith.constant 0 : i32
          %add3A_472 = arith.addi %mul3A_470, %add3A_471 : i32
          %mul3A_473 = arith.constant 16 : i32
          %mul3A_474 = arith.muli %add3A_472, %mul3A_473 : i32
          %mul3A_475 = arith.constant 8 : i32
          %mul3A_476 = arith.muli %scan3A_468, %mul3A_475 : i32
          %add3A_477 = arith.constant 1 : i32
          %add3A_478 = arith.addi %mul3A_476, %add3A_477 : i32
          %mul3A_479 = arith.constant 16 : i32
          %mul3A_480 = arith.muli %add3A_478, %mul3A_479 : i32
          %mul3A_481 = arith.constant 8 : i32
          %mul3A_482 = arith.muli %scan3A_468, %mul3A_481 : i32
          %add3A_483 = arith.constant 2 : i32
          %add3A_484 = arith.addi %mul3A_482, %add3A_483 : i32
          %mul3A_485 = arith.constant 16 : i32
          %mul3A_486 = arith.muli %add3A_484, %mul3A_485 : i32
          %mul3A_487 = arith.constant 8 : i32
          %mul3A_488 = arith.muli %scan3A_468, %mul3A_487 : i32
          %add3A_489 = arith.constant 3 : i32
          %add3A_490 = arith.addi %mul3A_488, %add3A_489 : i32
          %mul3A_491 = arith.constant 16 : i32
          %mul3A_492 = arith.muli %add3A_490, %mul3A_491 : i32
          %mul3A_493 = arith.constant 8 : i32
          %mul3A_494 = arith.muli %scan3A_468, %mul3A_493 : i32
          %add3A_495 = arith.constant 4 : i32
          %add3A_496 = arith.addi %mul3A_494, %add3A_495 : i32
          %mul3A_497 = arith.constant 16 : i32
          %mul3A_498 = arith.muli %add3A_496, %mul3A_497 : i32
          %mul3A_499 = arith.constant 8 : i32
          %mul3A_500 = arith.muli %scan3A_468, %mul3A_499 : i32
          %add3A_501 = arith.constant 5 : i32
          %add3A_502 = arith.addi %mul3A_500, %add3A_501 : i32
          %mul3A_503 = arith.constant 16 : i32
          %mul3A_504 = arith.muli %add3A_502, %mul3A_503 : i32
          %mul3A_505 = arith.constant 8 : i32
          %mul3A_506 = arith.muli %scan3A_468, %mul3A_505 : i32
          %add3A_507 = arith.constant 6 : i32
          %add3A_508 = arith.addi %mul3A_506, %add3A_507 : i32
          %mul3A_509 = arith.constant 16 : i32
          %mul3A_510 = arith.muli %add3A_508, %mul3A_509 : i32
          %mul3A_511 = arith.constant 8 : i32
          %mul3A_512 = arith.muli %scan3A_468, %mul3A_511 : i32
          %add3A_513 = arith.constant 7 : i32
          %add3A_514 = arith.addi %mul3A_512, %add3A_513 : i32
          %mul3A_515 = arith.constant 16 : i32
          %mul3A_516 = arith.muli %add3A_514, %mul3A_515 : i32
          %get3A = arith.constant 0 : i32
          %get3A_517 = tpu.memref_slice %arg6[%scan3A_369, %scan3A_370, %get3A] : memref<4x1x4096xi32, #tpu.memory_space<vmem>> -> memref<1x1x4096xi32, #tpu.memory_space<vmem>>
          %get3A_518 = tpu.memref_squeeze %get3A_517 : memref<1x1x4096xi32, #tpu.memory_space<vmem>> -> memref<4096xi32, #tpu.memory_space<vmem>>
          %get3A_519 = arith.index_cast %mul3A_474 : i32 to index
          %get3A_520 = tpu.vector_load %get3A_518[%get3A_519] {strides = array<i32>} : memref<4096xi32, #tpu.memory_space<vmem>>, vector<16xi32>,
          %get3A_521 = arith.constant 0 : i32
          %get3A_522 = tpu.memref_slice %arg6[%scan3A_369, %scan3A_370, %get3A_521] : memref<4x1x4096xi32, #tpu.memory_space<vmem>> -> memref<1x1x4096xi32, #tpu.memory_space<vmem>>
          %get3A_523 = tpu.memref_squeeze %get3A_522 : memref<1x1x4096xi32, #tpu.memory_space<vmem>> -> memref<4096xi32, #tpu.memory_space<vmem>>
          %get3A_524 = arith.index_cast %mul3A_480 : i32 to index
          %get3A_525 = tpu.vector_load %get3A_523[%get3A_524] {strides = array<i32>} : memref<4096xi32, #tpu.memory_space<vmem>>, vector<16xi32>,
          %get3A_526 = arith.constant 0 : i32
          %get3A_527 = tpu.memref_slice %arg6[%scan3A_369, %scan3A_370, %get3A_526] : memref<4x1x4096xi32, #tpu.memory_space<vmem>> -> memref<1x1x4096xi32, #tpu.memory_space<vmem>>
          %get3A_528 = tpu.memref_squeeze %get3A_527 : memref<1x1x4096xi32, #tpu.memory_space<vmem>> -> memref<4096xi32, #tpu.memory_space<vmem>>
          %get3A_529 = arith.index_cast %mul3A_486 : i32 to index
          %get3A_530 = tpu.vector_load %get3A_528[%get3A_529] {strides = array<i32>} : memref<4096xi32, #tpu.memory_space<vmem>>, vector<16xi32>,
          %get3A_531 = arith.constant 0 : i32
          %get3A_532 = tpu.memref_slice %arg6[%scan3A_369, %scan3A_370, %get3A_531] : memref<4x1x4096xi32, #tpu.memory_space<vmem>> -> memref<1x1x4096xi32, #tpu.memory_space<vmem>>
          %get3A_533 = tpu.memref_squeeze %get3A_532 : memref<1x1x4096xi32, #tpu.memory_space<vmem>> -> memref<4096xi32, #tpu.memory_space<vmem>>
          %get3A_534 = arith.index_cast %mul3A_492 : i32 to index
          %get3A_535 = tpu.vector_load %get3A_533[%get3A_534] {strides = array<i32>} : memref<4096xi32, #tpu.memory_space<vmem>>, vector<16xi32>,
          %get3A_536 = arith.constant 0 : i32
          %get3A_537 = tpu.memref_slice %arg6[%scan3A_369, %scan3A_370, %get3A_536] : memref<4x1x4096xi32, #tpu.memory_space<vmem>> -> memref<1x1x4096xi32, #tpu.memory_space<vmem>>
          %get3A_538 = tpu.memref_squeeze %get3A_537 : memref<1x1x4096xi32, #tpu.memory_space<vmem>> -> memref<4096xi32, #tpu.memory_space<vmem>>
          %get3A_539 = arith.index_cast %mul3A_498 : i32 to index
          %get3A_540 = tpu.vector_load %get3A_538[%get3A_539] {strides = array<i32>} : memref<4096xi32, #tpu.memory_space<vmem>>, vector<16xi32>,
          %get3A_541 = arith.constant 0 : i32
          %get3A_542 = tpu.memref_slice %arg6[%scan3A_369, %scan3A_370, %get3A_541] : memref<4x1x4096xi32, #tpu.memory_space<vmem>> -> memref<1x1x4096xi32, #tpu.memory_space<vmem>>
          %get3A_543 = tpu.memref_squeeze %get3A_542 : memref<1x1x4096xi32, #tpu.memory_space<vmem>> -> memref<4096xi32, #tpu.memory_space<vmem>>
          %get3A_544 = arith.index_cast %mul3A_504 : i32 to index
          %get3A_545 = tpu.vector_load %get3A_543[%get3A_544] {strides = array<i32>} : memref<4096xi32, #tpu.memory_space<vmem>>, vector<16xi32>,
          %get3A_546 = arith.constant 0 : i32
          %get3A_547 = tpu.memref_slice %arg6[%scan3A_369, %scan3A_370, %get3A_546] : memref<4x1x4096xi32, #tpu.memory_space<vmem>> -> memref<1x1x4096xi32, #tpu.memory_space<vmem>>
          %get3A_548 = tpu.memref_squeeze %get3A_547 : memref<1x1x4096xi32, #tpu.memory_space<vmem>> -> memref<4096xi32, #tpu.memory_space<vmem>>
          %get3A_549 = arith.index_cast %mul3A_510 : i32 to index
          %get3A_550 = tpu.vector_load %get3A_548[%get3A_549] {strides = array<i32>} : memref<4096xi32, #tpu.memory_space<vmem>>, vector<16xi32>,
          %get3A_551 = arith.constant 0 : i32
          %get3A_552 = tpu.memref_slice %arg6[%scan3A_369, %scan3A_370, %get3A_551] : memref<4x1x4096xi32, #tpu.memory_space<vmem>> -> memref<1x1x4096xi32, #tpu.memory_space<vmem>>
          %get3A_553 = tpu.memref_squeeze %get3A_552 : memref<1x1x4096xi32, #tpu.memory_space<vmem>> -> memref<4096xi32, #tpu.memory_space<vmem>>
          %get3A_554 = arith.index_cast %mul3A_516 : i32 to index
          %get3A_555 = tpu.vector_load %get3A_553[%get3A_554] {strides = array<i32>} : memref<4096xi32, #tpu.memory_space<vmem>>, vector<16xi32>,
          %gather3A = tpu.vector_load_idx %arg5[%get3A_520] : memref<100000xf32, #tpu.memory_space<vmem>>[vector<16xi32>], vector<16xf32>,
          %gather3A_556 = tpu.vector_load_idx %arg5[%get3A_525] : memref<100000xf32, #tpu.memory_space<vmem>>[vector<16xi32>], vector<16xf32>,
          %gather3A_557 = tpu.vector_load_idx %arg5[%get3A_530] : memref<100000xf32, #tpu.memory_space<vmem>>[vector<16xi32>], vector<16xf32>,
          %gather3A_558 = tpu.vector_load_idx %arg5[%get3A_535] : memref<100000xf32, #tpu.memory_space<vmem>>[vector<16xi32>], vector<16xf32>,
          %gather3A_559 = tpu.vector_load_idx %arg5[%get3A_540] : memref<100000xf32, #tpu.memory_space<vmem>>[vector<16xi32>], vector<16xf32>,
          %gather3A_560 = tpu.vector_load_idx %arg5[%get3A_545] : memref<100000xf32, #tpu.memory_space<vmem>>[vector<16xi32>], vector<16xf32>,
          %gather3A_561 = tpu.vector_load_idx %arg5[%get3A_550] : memref<100000xf32, #tpu.memory_space<vmem>>[vector<16xi32>], vector<16xf32>,
          %gather3A_562 = tpu.vector_load_idx %arg5[%get3A_555] : memref<100000xf32, #tpu.memory_space<vmem>>[vector<16xi32>], vector<16xf32>,
          %swap3A = arith.constant 0 : i32
          %swap3A_563 = tpu.memref_slice %arg7[%scan3A_371, %scan3A_372, %scan3A_373, %swap3A] : memref<2x1x1x4096xf32, #tpu.memory_space<vmem>> -> memref<1x1x1x4096xf32, #tpu.memory_space<vmem>>
          %swap3A_564 = tpu.memref_squeeze %swap3A_563 : memref<1x1x1x4096xf32, #tpu.memory_space<vmem>> -> memref<4096xf32, #tpu.memory_space<vmem>>
          %swap3A_565 = arith.index_cast %mul3A_474 : i32 to index
          %swap3A_566 = tpu.vector_load %swap3A_564[%swap3A_565] {strides = array<i32>} : memref<4096xf32, #tpu.memory_space<vmem>>, vector<16xf32>,
          tpu.vector_store %swap3A_564[%swap3A_565], %gather3A {strides = array<i32>} : memref<4096xf32, #tpu.memory_space<vmem>>, vector<16xf32>,
          %swap3A_567 = arith.constant 0 : i32
          %swap3A_568 = tpu.memref_slice %arg7[%scan3A_371, %scan3A_372, %scan3A_373, %swap3A_567] : memref<2x1x1x4096xf32, #tpu.memory_space<vmem>> -> memref<1x1x1x4096xf32, #tpu.memory_space<vmem>>
          %swap3A_569 = tpu.memref_squeeze %swap3A_568 : memref<1x1x1x4096xf32, #tpu.memory_space<vmem>> -> memref<4096xf32, #tpu.memory_space<vmem>>
          %swap3A_570 = arith.index_cast %mul3A_480 : i32 to index
          %swap3A_571 = tpu.vector_load %swap3A_569[%swap3A_570] {strides = array<i32>} : memref<4096xf32, #tpu.memory_space<vmem>>, vector<16xf32>,
          tpu.vector_store %swap3A_569[%swap3A_570], %gather3A_556 {strides = array<i32>} : memref<4096xf32, #tpu.memory_space<vmem>>, vector<16xf32>,
          %swap3A_572 = arith.constant 0 : i32
          %swap3A_573 = tpu.memref_slice %arg7[%scan3A_371, %scan3A_372, %scan3A_373, %swap3A_572] : memref<2x1x1x4096xf32, #tpu.memory_space<vmem>> -> memref<1x1x1x4096xf32, #tpu.memory_space<vmem>>
          %swap3A_574 = tpu.memref_squeeze %swap3A_573 : memref<1x1x1x4096xf32, #tpu.memory_space<vmem>> -> memref<4096xf32, #tpu.memory_space<vmem>>
          %swap3A_575 = arith.index_cast %mul3A_486 : i32 to index
          %swap3A_576 = tpu.vector_load %swap3A_574[%swap3A_575] {strides = array<i32>} : memref<4096xf32, #tpu.memory_space<vmem>>, vector<16xf32>,
          tpu.vector_store %swap3A_574[%swap3A_575], %gather3A_557 {strides = array<i32>} : memref<4096xf32, #tpu.memory_space<vmem>>, vector<16xf32>,
          %swap3A_577 = arith.constant 0 : i32
          %swap3A_578 = tpu.memref_slice %arg7[%scan3A_371, %scan3A_372, %scan3A_373, %swap3A_577] : memref<2x1x1x4096xf32, #tpu.memory_space<vmem>> -> memref<1x1x1x4096xf32, #tpu.memory_space<vmem>>
          %swap3A_579 = tpu.memref_squeeze %swap3A_578 : memref<1x1x1x4096xf32, #tpu.memory_space<vmem>> -> memref<4096xf32, #tpu.memory_space<vmem>>
          %swap3A_580 = arith.index_cast %mul3A_492 : i32 to index
          %swap3A_581 = tpu.vector_load %swap3A_579[%swap3A_580] {strides = array<i32>} : memref<4096xf32, #tpu.memory_space<vmem>>, vector<16xf32>,
          tpu.vector_store %swap3A_579[%swap3A_580], %gather3A_558 {strides = array<i32>} : memref<4096xf32, #tpu.memory_space<vmem>>, vector<16xf32>,
          %swap3A_582 = arith.constant 0 : i32
          %swap3A_583 = tpu.memref_slice %arg7[%scan3A_371, %scan3A_372, %scan3A_373, %swap3A_582] : memref<2x1x1x4096xf32, #tpu.memory_space<vmem>> -> memref<1x1x1x4096xf32, #tpu.memory_space<vmem>>
          %swap3A_584 = tpu.memref_squeeze %swap3A_583 : memref<1x1x1x4096xf32, #tpu.memory_space<vmem>> -> memref<4096xf32, #tpu.memory_space<vmem>>
          %swap3A_585 = arith.index_cast %mul3A_498 : i32 to index
          %swap3A_586 = tpu.vector_load %swap3A_584[%swap3A_585] {strides = array<i32>} : memref<4096xf32, #tpu.memory_space<vmem>>, vector<16xf32>,
          tpu.vector_store %swap3A_584[%swap3A_585], %gather3A_559 {strides = array<i32>} : memref<4096xf32, #tpu.memory_space<vmem>>, vector<16xf32>,
          %swap3A_587 = arith.constant 0 : i32
          %swap3A_588 = tpu.memref_slice %arg7[%scan3A_371, %scan3A_372, %scan3A_373, %swap3A_587] : memref<2x1x1x4096xf32, #tpu.memory_space<vmem>> -> memref<1x1x1x4096xf32, #tpu.memory_space<vmem>>
          %swap3A_589 = tpu.memref_squeeze %swap3A_588 : memref<1x1x1x4096xf32, #tpu.memory_space<vmem>> -> memref<4096xf32, #tpu.memory_space<vmem>>
          %swap3A_590 = arith.index_cast %mul3A_504 : i32 to index
          %swap3A_591 = tpu.vector_load %swap3A_589[%swap3A_590] {strides = array<i32>} : memref<4096xf32, #tpu.memory_space<vmem>>, vector<16xf32>,
          tpu.vector_store %swap3A_589[%swap3A_590], %gather3A_560 {strides = array<i32>} : memref<4096xf32, #tpu.memory_space<vmem>>, vector<16xf32>,
          %swap3A_592 = arith.constant 0 : i32
          %swap3A_593 = tpu.memref_slice %arg7[%scan3A_371, %scan3A_372, %scan3A_373, %swap3A_592] : memref<2x1x1x4096xf32, #tpu.memory_space<vmem>> -> memref<1x1x1x4096xf32, #tpu.memory_space<vmem>>
          %swap3A_594 = tpu.memref_squeeze %swap3A_593 : memref<1x1x1x4096xf32, #tpu.memory_space<vmem>> -> memref<4096xf32, #tpu.memory_space<vmem>>
          %swap3A_595 = arith.index_cast %mul3A_510 : i32 to index
          %swap3A_596 = tpu.vector_load %swap3A_594[%swap3A_595] {strides = array<i32>} : memref<4096xf32, #tpu.memory_space<vmem>>, vector<16xf32>,
          tpu.vector_store %swap3A_594[%swap3A_595], %gather3A_561 {strides = array<i32>} : memref<4096xf32, #tpu.memory_space<vmem>>, vector<16xf32>,
          %swap3A_597 = arith.constant 0 : i32
          %swap3A_598 = tpu.memref_slice %arg7[%scan3A_371, %scan3A_372, %scan3A_373, %swap3A_597] : memref<2x1x1x4096xf32, #tpu.memory_space<vmem>> -> memref<1x1x1x4096xf32, #tpu.memory_space<vmem>>
          %swap3A_599 = tpu.memref_squeeze %swap3A_598 : memref<1x1x1x4096xf32, #tpu.memory_space<vmem>> -> memref<4096xf32, #tpu.memory_space<vmem>>
          %swap3A_600 = arith.index_cast %mul3A_516 : i32 to index
          %swap3A_601 = tpu.vector_load %swap3A_599[%swap3A_600] {strides = array<i32>} : memref<4096xf32, #tpu.memory_space<vmem>>, vector<16xf32>,
          tpu.vector_store %swap3A_599[%swap3A_600], %gather3A_562 {strides = array<i32>} : memref<4096xf32, #tpu.memory_space<vmem>>, vector<16xf32>,
        }
        %scan3A_378 = arith.constant 32 : i32
        %dma_start3A_379 = arith.constant 0 : i32
        %dma_start3A_380 = arith.constant 0 : i32
        %dma_start3A_381 = arith.constant 0 : i32
        %dma_start3A_382 = arith.constant 0 : i32
        %dma_start3A_383 = tpu.memref_slice %arg7[%dma_start3A_379, %dma_start3A_380, %dma_start3A_381, %dma_start3A_382] : memref<2x1x1x4096xf32, #tpu.memory_space<vmem>> -> memref<1x1x1x4096xf32, #tpu.memory_space<vmem>>
        %dma_start3A_384 = tpu.memref_squeeze %dma_start3A_383 : memref<1x1x1x4096xf32, #tpu.memory_space<vmem>> -> memref<1x1x4096xf32, #tpu.memory_space<vmem>>
        %dma_start3A_385 = arith.constant 0 : i32
        %dma_start3A_386 = tpu.memref_slice %arg4[%add3A_338, %add3A_9, %dma_start3A_385] : memref<50x64x4096xf32, #tpu.memory_space<hbm>> -> memref<1x1x4096xf32, #tpu.memory_space<hbm>>
        %dma_start3A_387 = arith.constant 0 : i32
        %dma_start3A_388 = tpu.memref_slice %arg4[%add3A_338, %add3A_9, %dma_start3A_387] : memref<50x64x4096xf32, #tpu.memory_space<hbm>> -> memref<1x1x4096xf32, #tpu.memory_space<hbm>>
        %dma_start3A_389 = arith.constant 0 : i32
        %dma_start3A_390 = arith.constant 0 : i32
        %dma_start3A_391 = arith.constant 0 : i32
        %dma_start3A_392 = tpu.memref_slice %arg7[%dma_start3A_379, %dma_start3A_389, %dma_start3A_390, %dma_start3A_391] : memref<2x1x1x4096xf32, #tpu.memory_space<vmem>> -> memref<1x1x1x4096xf32, #tpu.memory_space<vmem>>
        %dma_start3A_393 = tpu.memref_squeeze %dma_start3A_392 : memref<1x1x1x4096xf32, #tpu.memory_space<vmem>> -> memref<1x1x4096xf32, #tpu.memory_space<vmem>>
        tpu.enqueue_dma source(%dma_start3A_393 : memref<1x1x4096xf32, #tpu.memory_space<vmem>>) target(%dma_start3A_388 : memref<1x1x4096xf32, #tpu.memory_space<hbm>>) target_semaphore(%arg12 : memref<!tpu.dma_semaphore, #tpu.memory_space<semaphore_mem>>)
        %add3A_394 = arith.constant 4 : i32
        %add3A_395 = arith.addi %add3A_338, %add3A_394 : i32
        %lt3A_396 = arith.constant 50 : i32
        %lt3A_397 = arith.cmpi slt, %add3A_395, %lt3A_396 : i32
        %convert_element_type3A_398 = arith.extui %lt3A_397 : i1 to i32
        %cond3A_399 = arith.constant 0 : i32
        %cond3A_400 = arith.cmpi ne, %convert_element_type3A_398, %cond3A_399 : i32
        scf.if %cond3A_400 {
          %add3A_468 = arith.constant 4 : i32
          %add3A_469 = arith.addi %add3A_338, %add3A_468 : i32
          %dma_start3A_470 = arith.constant 2 : i32
          %dma_start3A_471 = arith.constant 0 : i32
          %dma_start3A_472 = arith.constant 0 : i32
          %dma_start3A_473 = tpu.memref_slice %arg6[%dma_start3A_470, %dma_start3A_471, %dma_start3A_472] : memref<4x1x4096xi32, #tpu.memory_space<vmem>> -> memref<1x1x4096xi32, #tpu.memory_space<vmem>>
          %dma_start3A_474 = tpu.memref_squeeze %dma_start3A_473 : memref<1x1x4096xi32, #tpu.memory_space<vmem>> -> memref<1x4096xi32, #tpu.memory_space<vmem>>
          %dma_start3A_475 = arith.constant 0 : i32
          %dma_start3A_476 = tpu.memref_slice %arg2[%add3A_469, %dma_start3A_475] : memref<50x4096xi32, #tpu.memory_space<hbm>> -> memref<1x4096xi32, #tpu.memory_space<hbm>>
          %dma_start3A_477 = arith.constant 0 : i32
          %dma_start3A_478 = arith.constant 0 : i32
          %dma_start3A_479 = tpu.memref_slice %arg6[%dma_start3A_470, %dma_start3A_477, %dma_start3A_478] : memref<4x1x4096xi32, #tpu.memory_space<vmem>> -> memref<1x1x4096xi32, #tpu.memory_space<vmem>>
          %dma_start3A_480 = tpu.memref_squeeze %dma_start3A_479 : memref<1x1x4096xi32, #tpu.memory_space<vmem>> -> memref<1x4096xi32, #tpu.memory_space<vmem>>
          %dma_start3A_481 = arith.constant 0 : i32
          %dma_start3A_482 = tpu.memref_slice %arg2[%add3A_469, %dma_start3A_481] : memref<50x4096xi32, #tpu.memory_space<hbm>> -> memref<1x4096xi32, #tpu.memory_space<hbm>>
          tpu.enqueue_dma source(%dma_start3A_482 : memref<1x4096xi32, #tpu.memory_space<hbm>>) target(%dma_start3A_480 : memref<1x4096xi32, #tpu.memory_space<vmem>>) target_semaphore(%arg10 : memref<!tpu.dma_semaphore, #tpu.memory_space<semaphore_mem>>)
        } else {
        }
        %mul3A_401 = arith.constant 4 : i32
        %mul3A_402 = arith.muli %scan3A_228, %mul3A_401 : i32
        %add3A_403 = arith.constant 3 : i32
        %add3A_404 = arith.addi %mul3A_402, %add3A_403 : i32
        %dma_wait3A_405 = arith.constant 3 : i32
        %dma_wait3A_406 = arith.constant 0 : i32
        %dma_wait3A_407 = arith.constant 0 : i32
        %dma_wait3A_408 = tpu.memref_slice %arg6[%dma_wait3A_405, %dma_wait3A_406, %dma_wait3A_407] : memref<4x1x4096xi32, #tpu.memory_space<vmem>> -> memref<1x1x4096xi32, #tpu.memory_space<vmem>>
        %dma_wait3A_409 = tpu.memref_squeeze %dma_wait3A_408 : memref<1x1x4096xi32, #tpu.memory_space<vmem>> -> memref<1x4096xi32, #tpu.memory_space<vmem>>
        %dma_wait3A_410 = arith.constant 0 : i32
        %dma_wait3A_411 = tpu.memref_slice %arg2[%add3A_404, %dma_wait3A_410] : memref<50x4096xi32, #tpu.memory_space<hbm>> -> memref<1x4096xi32, #tpu.memory_space<hbm>>
        %dma_wait3A_412 = arith.constant 0 : i32
        %dma_wait3A_413 = arith.constant 0 : i32
        %dma_wait3A_414 = tpu.memref_slice %arg6[%dma_wait3A_405, %dma_wait3A_412, %dma_wait3A_413] : memref<4x1x4096xi32, #tpu.memory_space<vmem>> -> memref<1x1x4096xi32, #tpu.memory_space<vmem>>
        %dma_wait3A_415 = tpu.memref_squeeze %dma_wait3A_414 : memref<1x1x4096xi32, #tpu.memory_space<vmem>> -> memref<1x4096xi32, #tpu.memory_space<vmem>>
        %dma_wait3A_416 = arith.constant 0 : i32
        %dma_wait3A_417 = tpu.memref_slice %arg2[%add3A_404, %dma_wait3A_416] : memref<50x4096xi32, #tpu.memory_space<hbm>> -> memref<1x4096xi32, #tpu.memory_space<hbm>>
        tpu.wait_dma2 semaphore(%arg11 : memref<!tpu.dma_semaphore, #tpu.memory_space<semaphore_mem>>) src(%dma_wait3A_417 : memref<1x4096xi32, #tpu.memory_space<hbm>>) dst(%dma_wait3A_415 : memref<1x4096xi32, #tpu.memory_space<vmem>>)
        %sub3A_418 = arith.constant 2 : i32
        %sub3A_419 = arith.subi %add3A_404, %sub3A_418 : i32
        %dma_wait3A_420 = arith.constant 1 : i32
        %dma_wait3A_421 = arith.constant 0 : i32
        %dma_wait3A_422 = arith.constant 0 : i32
        %dma_wait3A_423 = arith.constant 0 : i32
        %dma_wait3A_424 = tpu.memref_slice %arg7[%dma_wait3A_420, %dma_wait3A_421, %dma_wait3A_422, %dma_wait3A_423] : memref<2x1x1x4096xf32, #tpu.memory_space<vmem>> -> memref<1x1x1x4096xf32, #tpu.memory_space<vmem>>
        %dma_wait3A_425 = tpu.memref_squeeze %dma_wait3A_424 : memref<1x1x1x4096xf32, #tpu.memory_space<vmem>> -> memref<1x1x4096xf32, #tpu.memory_space<vmem>>
        %dma_wait3A_426 = arith.constant 0 : i32
        %dma_wait3A_427 = tpu.memref_slice %arg4[%sub3A_419, %add3A_9, %dma_wait3A_426] : memref<50x64x4096xf32, #tpu.memory_space<hbm>> -> memref<1x1x4096xf32, #tpu.memory_space<hbm>>
        %dma_wait3A_428 = arith.constant 0 : i32
        %dma_wait3A_429 = tpu.memref_slice %arg4[%sub3A_419, %add3A_9, %dma_wait3A_428] : memref<50x64x4096xf32, #tpu.memory_space<hbm>> -> memref<1x1x4096xf32, #tpu.memory_space<hbm>>
        %dma_wait3A_430 = arith.constant 0 : i32
        %dma_wait3A_431 = arith.constant 0 : i32
        %dma_wait3A_432 = arith.constant 0 : i32
        %dma_wait3A_433 = tpu.memref_slice %arg7[%dma_wait3A_420, %dma_wait3A_430, %dma_wait3A_431, %dma_wait3A_432] : memref<2x1x1x4096xf32, #tpu.memory_space<vmem>> -> memref<1x1x1x4096xf32, #tpu.memory_space<vmem>>
        %dma_wait3A_434 = tpu.memref_squeeze %dma_wait3A_433 : memref<1x1x1x4096xf32, #tpu.memory_space<vmem>> -> memref<1x1x4096xf32, #tpu.memory_space<vmem>>
        tpu.wait_dma2 semaphore(%arg13 : memref<!tpu.dma_semaphore, #tpu.memory_space<semaphore_mem>>) src(%dma_wait3A_434 : memref<1x1x4096xf32, #tpu.memory_space<vmem>>) dst(%dma_wait3A_429 : memref<1x1x4096xf32, #tpu.memory_space<hbm>>)
        %scan3A_435 = arith.constant 0 : i32
        %scan3A_436 = arith.constant 3 : i32
        %scan3A_437 = arith.constant 0 : i32
        %scan3A_438 = arith.constant 1 : i32
        %scan3A_439 = arith.constant 0 : i32
        %scan3A_440 = arith.constant 0 : i32
        %scan3A_441 = arith.constant 0 : i32
        %scan3A_442 = arith.constant 32 : i32
        %scan3A_443 = arith.addi %scan3A_441, %scan3A_442 : i32
        %scan3A_444 = arith.constant 1 : i32
        scf.for %scan3A_468 = %scan3A_441 to %scan3A_443 step %scan3A_444  : i32 {
          %mul3A_469 = arith.constant 8 : i32
          %mul3A_470 = arith.muli %scan3A_468, %mul3A_469 : i32
          %add3A_471 = arith.constant 0 : i32
          %add3A_472 = arith.addi %mul3A_470, %add3A_471 : i32
          %mul3A_473 = arith.constant 16 : i32
          %mul3A_474 = arith.muli %add3A_472, %mul3A_473 : i32
          %mul3A_475 = arith.constant 8 : i32
          %mul3A_476 = arith.muli %scan3A_468, %mul3A_475 : i32
          %add3A_477 = arith.constant 1 : i32
          %add3A_478 = arith.addi %mul3A_476, %add3A_477 : i32
          %mul3A_479 = arith.constant 16 : i32
          %mul3A_480 = arith.muli %add3A_478, %mul3A_479 : i32
          %mul3A_481 = arith.constant 8 : i32
          %mul3A_482 = arith.muli %scan3A_468, %mul3A_481 : i32
          %add3A_483 = arith.constant 2 : i32
          %add3A_484 = arith.addi %mul3A_482, %add3A_483 : i32
          %mul3A_485 = arith.constant 16 : i32
          %mul3A_486 = arith.muli %add3A_484, %mul3A_485 : i32
          %mul3A_487 = arith.constant 8 : i32
          %mul3A_488 = arith.muli %scan3A_468, %mul3A_487 : i32
          %add3A_489 = arith.constant 3 : i32
          %add3A_490 = arith.addi %mul3A_488, %add3A_489 : i32
          %mul3A_491 = arith.constant 16 : i32
          %mul3A_492 = arith.muli %add3A_490, %mul3A_491 : i32
          %mul3A_493 = arith.constant 8 : i32
          %mul3A_494 = arith.muli %scan3A_468, %mul3A_493 : i32
          %add3A_495 = arith.constant 4 : i32
          %add3A_496 = arith.addi %mul3A_494, %add3A_495 : i32
          %mul3A_497 = arith.constant 16 : i32
          %mul3A_498 = arith.muli %add3A_496, %mul3A_497 : i32
          %mul3A_499 = arith.constant 8 : i32
          %mul3A_500 = arith.muli %scan3A_468, %mul3A_499 : i32
          %add3A_501 = arith.constant 5 : i32
          %add3A_502 = arith.addi %mul3A_500, %add3A_501 : i32
          %mul3A_503 = arith.constant 16 : i32
          %mul3A_504 = arith.muli %add3A_502, %mul3A_503 : i32
          %mul3A_505 = arith.constant 8 : i32
          %mul3A_506 = arith.muli %scan3A_468, %mul3A_505 : i32
          %add3A_507 = arith.constant 6 : i32
          %add3A_508 = arith.addi %mul3A_506, %add3A_507 : i32
          %mul3A_509 = arith.constant 16 : i32
          %mul3A_510 = arith.muli %add3A_508, %mul3A_509 : i32
          %mul3A_511 = arith.constant 8 : i32
          %mul3A_512 = arith.muli %scan3A_468, %mul3A_511 : i32
          %add3A_513 = arith.constant 7 : i32
          %add3A_514 = arith.addi %mul3A_512, %add3A_513 : i32
          %mul3A_515 = arith.constant 16 : i32
          %mul3A_516 = arith.muli %add3A_514, %mul3A_515 : i32
          %get3A = arith.constant 0 : i32
          %get3A_517 = tpu.memref_slice %arg6[%scan3A_436, %scan3A_437, %get3A] : memref<4x1x4096xi32, #tpu.memory_space<vmem>> -> memref<1x1x4096xi32, #tpu.memory_space<vmem>>
          %get3A_518 = tpu.memref_squeeze %get3A_517 : memref<1x1x4096xi32, #tpu.memory_space<vmem>> -> memref<4096xi32, #tpu.memory_space<vmem>>
          %get3A_519 = arith.index_cast %mul3A_474 : i32 to index
          %get3A_520 = tpu.vector_load %get3A_518[%get3A_519] {strides = array<i32>} : memref<4096xi32, #tpu.memory_space<vmem>>, vector<16xi32>,
          %get3A_521 = arith.constant 0 : i32
          %get3A_522 = tpu.memref_slice %arg6[%scan3A_436, %scan3A_437, %get3A_521] : memref<4x1x4096xi32, #tpu.memory_space<vmem>> -> memref<1x1x4096xi32, #tpu.memory_space<vmem>>
          %get3A_523 = tpu.memref_squeeze %get3A_522 : memref<1x1x4096xi32, #tpu.memory_space<vmem>> -> memref<4096xi32, #tpu.memory_space<vmem>>
          %get3A_524 = arith.index_cast %mul3A_480 : i32 to index
          %get3A_525 = tpu.vector_load %get3A_523[%get3A_524] {strides = array<i32>} : memref<4096xi32, #tpu.memory_space<vmem>>, vector<16xi32>,
          %get3A_526 = arith.constant 0 : i32
          %get3A_527 = tpu.memref_slice %arg6[%scan3A_436, %scan3A_437, %get3A_526] : memref<4x1x4096xi32, #tpu.memory_space<vmem>> -> memref<1x1x4096xi32, #tpu.memory_space<vmem>>
          %get3A_528 = tpu.memref_squeeze %get3A_527 : memref<1x1x4096xi32, #tpu.memory_space<vmem>> -> memref<4096xi32, #tpu.memory_space<vmem>>
          %get3A_529 = arith.index_cast %mul3A_486 : i32 to index
          %get3A_530 = tpu.vector_load %get3A_528[%get3A_529] {strides = array<i32>} : memref<4096xi32, #tpu.memory_space<vmem>>, vector<16xi32>,
          %get3A_531 = arith.constant 0 : i32
          %get3A_532 = tpu.memref_slice %arg6[%scan3A_436, %scan3A_437, %get3A_531] : memref<4x1x4096xi32, #tpu.memory_space<vmem>> -> memref<1x1x4096xi32, #tpu.memory_space<vmem>>
          %get3A_533 = tpu.memref_squeeze %get3A_532 : memref<1x1x4096xi32, #tpu.memory_space<vmem>> -> memref<4096xi32, #tpu.memory_space<vmem>>
          %get3A_534 = arith.index_cast %mul3A_492 : i32 to index
          %get3A_535 = tpu.vector_load %get3A_533[%get3A_534] {strides = array<i32>} : memref<4096xi32, #tpu.memory_space<vmem>>, vector<16xi32>,
          %get3A_536 = arith.constant 0 : i32
          %get3A_537 = tpu.memref_slice %arg6[%scan3A_436, %scan3A_437, %get3A_536] : memref<4x1x4096xi32, #tpu.memory_space<vmem>> -> memref<1x1x4096xi32, #tpu.memory_space<vmem>>
          %get3A_538 = tpu.memref_squeeze %get3A_537 : memref<1x1x4096xi32, #tpu.memory_space<vmem>> -> memref<4096xi32, #tpu.memory_space<vmem>>
          %get3A_539 = arith.index_cast %mul3A_498 : i32 to index
          %get3A_540 = tpu.vector_load %get3A_538[%get3A_539] {strides = array<i32>} : memref<4096xi32, #tpu.memory_space<vmem>>, vector<16xi32>,
          %get3A_541 = arith.constant 0 : i32
          %get3A_542 = tpu.memref_slice %arg6[%scan3A_436, %scan3A_437, %get3A_541] : memref<4x1x4096xi32, #tpu.memory_space<vmem>> -> memref<1x1x4096xi32, #tpu.memory_space<vmem>>
          %get3A_543 = tpu.memref_squeeze %get3A_542 : memref<1x1x4096xi32, #tpu.memory_space<vmem>> -> memref<4096xi32, #tpu.memory_space<vmem>>
          %get3A_544 = arith.index_cast %mul3A_504 : i32 to index
          %get3A_545 = tpu.vector_load %get3A_543[%get3A_544] {strides = array<i32>} : memref<4096xi32, #tpu.memory_space<vmem>>, vector<16xi32>,
          %get3A_546 = arith.constant 0 : i32
          %get3A_547 = tpu.memref_slice %arg6[%scan3A_436, %scan3A_437, %get3A_546] : memref<4x1x4096xi32, #tpu.memory_space<vmem>> -> memref<1x1x4096xi32, #tpu.memory_space<vmem>>
          %get3A_548 = tpu.memref_squeeze %get3A_547 : memref<1x1x4096xi32, #tpu.memory_space<vmem>> -> memref<4096xi32, #tpu.memory_space<vmem>>
          %get3A_549 = arith.index_cast %mul3A_510 : i32 to index
          %get3A_550 = tpu.vector_load %get3A_548[%get3A_549] {strides = array<i32>} : memref<4096xi32, #tpu.memory_space<vmem>>, vector<16xi32>,
          %get3A_551 = arith.constant 0 : i32
          %get3A_552 = tpu.memref_slice %arg6[%scan3A_436, %scan3A_437, %get3A_551] : memref<4x1x4096xi32, #tpu.memory_space<vmem>> -> memref<1x1x4096xi32, #tpu.memory_space<vmem>>
          %get3A_553 = tpu.memref_squeeze %get3A_552 : memref<1x1x4096xi32, #tpu.memory_space<vmem>> -> memref<4096xi32, #tpu.memory_space<vmem>>
          %get3A_554 = arith.index_cast %mul3A_516 : i32 to index
          %get3A_555 = tpu.vector_load %get3A_553[%get3A_554] {strides = array<i32>} : memref<4096xi32, #tpu.memory_space<vmem>>, vector<16xi32>,
          %gather3A = tpu.vector_load_idx %arg5[%get3A_520] : memref<100000xf32, #tpu.memory_space<vmem>>[vector<16xi32>], vector<16xf32>,
          %gather3A_556 = tpu.vector_load_idx %arg5[%get3A_525] : memref<100000xf32, #tpu.memory_space<vmem>>[vector<16xi32>], vector<16xf32>,
          %gather3A_557 = tpu.vector_load_idx %arg5[%get3A_530] : memref<100000xf32, #tpu.memory_space<vmem>>[vector<16xi32>], vector<16xf32>,
          %gather3A_558 = tpu.vector_load_idx %arg5[%get3A_535] : memref<100000xf32, #tpu.memory_space<vmem>>[vector<16xi32>], vector<16xf32>,
          %gather3A_559 = tpu.vector_load_idx %arg5[%get3A_540] : memref<100000xf32, #tpu.memory_space<vmem>>[vector<16xi32>], vector<16xf32>,
          %gather3A_560 = tpu.vector_load_idx %arg5[%get3A_545] : memref<100000xf32, #tpu.memory_space<vmem>>[vector<16xi32>], vector<16xf32>,
          %gather3A_561 = tpu.vector_load_idx %arg5[%get3A_550] : memref<100000xf32, #tpu.memory_space<vmem>>[vector<16xi32>], vector<16xf32>,
          %gather3A_562 = tpu.vector_load_idx %arg5[%get3A_555] : memref<100000xf32, #tpu.memory_space<vmem>>[vector<16xi32>], vector<16xf32>,
          %swap3A = arith.constant 0 : i32
          %swap3A_563 = tpu.memref_slice %arg7[%scan3A_438, %scan3A_439, %scan3A_440, %swap3A] : memref<2x1x1x4096xf32, #tpu.memory_space<vmem>> -> memref<1x1x1x4096xf32, #tpu.memory_space<vmem>>
          %swap3A_564 = tpu.memref_squeeze %swap3A_563 : memref<1x1x1x4096xf32, #tpu.memory_space<vmem>> -> memref<4096xf32, #tpu.memory_space<vmem>>
          %swap3A_565 = arith.index_cast %mul3A_474 : i32 to index
          %swap3A_566 = tpu.vector_load %swap3A_564[%swap3A_565] {strides = array<i32>} : memref<4096xf32, #tpu.memory_space<vmem>>, vector<16xf32>,
          tpu.vector_store %swap3A_564[%swap3A_565], %gather3A {strides = array<i32>} : memref<4096xf32, #tpu.memory_space<vmem>>, vector<16xf32>,
          %swap3A_567 = arith.constant 0 : i32
          %swap3A_568 = tpu.memref_slice %arg7[%scan3A_438, %scan3A_439, %scan3A_440, %swap3A_567] : memref<2x1x1x4096xf32, #tpu.memory_space<vmem>> -> memref<1x1x1x4096xf32, #tpu.memory_space<vmem>>
          %swap3A_569 = tpu.memref_squeeze %swap3A_568 : memref<1x1x1x4096xf32, #tpu.memory_space<vmem>> -> memref<4096xf32, #tpu.memory_space<vmem>>
          %swap3A_570 = arith.index_cast %mul3A_480 : i32 to index
          %swap3A_571 = tpu.vector_load %swap3A_569[%swap3A_570] {strides = array<i32>} : memref<4096xf32, #tpu.memory_space<vmem>>, vector<16xf32>,
          tpu.vector_store %swap3A_569[%swap3A_570], %gather3A_556 {strides = array<i32>} : memref<4096xf32, #tpu.memory_space<vmem>>, vector<16xf32>,
          %swap3A_572 = arith.constant 0 : i32
          %swap3A_573 = tpu.memref_slice %arg7[%scan3A_438, %scan3A_439, %scan3A_440, %swap3A_572] : memref<2x1x1x4096xf32, #tpu.memory_space<vmem>> -> memref<1x1x1x4096xf32, #tpu.memory_space<vmem>>
          %swap3A_574 = tpu.memref_squeeze %swap3A_573 : memref<1x1x1x4096xf32, #tpu.memory_space<vmem>> -> memref<4096xf32, #tpu.memory_space<vmem>>
          %swap3A_575 = arith.index_cast %mul3A_486 : i32 to index
          %swap3A_576 = tpu.vector_load %swap3A_574[%swap3A_575] {strides = array<i32>} : memref<4096xf32, #tpu.memory_space<vmem>>, vector<16xf32>,
          tpu.vector_store %swap3A_574[%swap3A_575], %gather3A_557 {strides = array<i32>} : memref<4096xf32, #tpu.memory_space<vmem>>, vector<16xf32>,
          %swap3A_577 = arith.constant 0 : i32
          %swap3A_578 = tpu.memref_slice %arg7[%scan3A_438, %scan3A_439, %scan3A_440, %swap3A_577] : memref<2x1x1x4096xf32, #tpu.memory_space<vmem>> -> memref<1x1x1x4096xf32, #tpu.memory_space<vmem>>
          %swap3A_579 = tpu.memref_squeeze %swap3A_578 : memref<1x1x1x4096xf32, #tpu.memory_space<vmem>> -> memref<4096xf32, #tpu.memory_space<vmem>>
          %swap3A_580 = arith.index_cast %mul3A_492 : i32 to index
          %swap3A_581 = tpu.vector_load %swap3A_579[%swap3A_580] {strides = array<i32>} : memref<4096xf32, #tpu.memory_space<vmem>>, vector<16xf32>,
          tpu.vector_store %swap3A_579[%swap3A_580], %gather3A_558 {strides = array<i32>} : memref<4096xf32, #tpu.memory_space<vmem>>, vector<16xf32>,
          %swap3A_582 = arith.constant 0 : i32
          %swap3A_583 = tpu.memref_slice %arg7[%scan3A_438, %scan3A_439, %scan3A_440, %swap3A_582] : memref<2x1x1x4096xf32, #tpu.memory_space<vmem>> -> memref<1x1x1x4096xf32, #tpu.memory_space<vmem>>
          %swap3A_584 = tpu.memref_squeeze %swap3A_583 : memref<1x1x1x4096xf32, #tpu.memory_space<vmem>> -> memref<4096xf32, #tpu.memory_space<vmem>>
          %swap3A_585 = arith.index_cast %mul3A_498 : i32 to index
          %swap3A_586 = tpu.vector_load %swap3A_584[%swap3A_585] {strides = array<i32>} : memref<4096xf32, #tpu.memory_space<vmem>>, vector<16xf32>,
          tpu.vector_store %swap3A_584[%swap3A_585], %gather3A_559 {strides = array<i32>} : memref<4096xf32, #tpu.memory_space<vmem>>, vector<16xf32>,
          %swap3A_587 = arith.constant 0 : i32
          %swap3A_588 = tpu.memref_slice %arg7[%scan3A_438, %scan3A_439, %scan3A_440, %swap3A_587] : memref<2x1x1x4096xf32, #tpu.memory_space<vmem>> -> memref<1x1x1x4096xf32, #tpu.memory_space<vmem>>
          %swap3A_589 = tpu.memref_squeeze %swap3A_588 : memref<1x1x1x4096xf32, #tpu.memory_space<vmem>> -> memref<4096xf32, #tpu.memory_space<vmem>>
          %swap3A_590 = arith.index_cast %mul3A_504 : i32 to index
          %swap3A_591 = tpu.vector_load %swap3A_589[%swap3A_590] {strides = array<i32>} : memref<4096xf32, #tpu.memory_space<vmem>>, vector<16xf32>,
          tpu.vector_store %swap3A_589[%swap3A_590], %gather3A_560 {strides = array<i32>} : memref<4096xf32, #tpu.memory_space<vmem>>, vector<16xf32>,
          %swap3A_592 = arith.constant 0 : i32
          %swap3A_593 = tpu.memref_slice %arg7[%scan3A_438, %scan3A_439, %scan3A_440, %swap3A_592] : memref<2x1x1x4096xf32, #tpu.memory_space<vmem>> -> memref<1x1x1x4096xf32, #tpu.memory_space<vmem>>
          %swap3A_594 = tpu.memref_squeeze %swap3A_593 : memref<1x1x1x4096xf32, #tpu.memory_space<vmem>> -> memref<4096xf32, #tpu.memory_space<vmem>>
          %swap3A_595 = arith.index_cast %mul3A_510 : i32 to index
          %swap3A_596 = tpu.vector_load %swap3A_594[%swap3A_595] {strides = array<i32>} : memref<4096xf32, #tpu.memory_space<vmem>>, vector<16xf32>,
          tpu.vector_store %swap3A_594[%swap3A_595], %gather3A_561 {strides = array<i32>} : memref<4096xf32, #tpu.memory_space<vmem>>, vector<16xf32>,
          %swap3A_597 = arith.constant 0 : i32
          %swap3A_598 = tpu.memref_slice %arg7[%scan3A_438, %scan3A_439, %scan3A_440, %swap3A_597] : memref<2x1x1x4096xf32, #tpu.memory_space<vmem>> -> memref<1x1x1x4096xf32, #tpu.memory_space<vmem>>
          %swap3A_599 = tpu.memref_squeeze %swap3A_598 : memref<1x1x1x4096xf32, #tpu.memory_space<vmem>> -> memref<4096xf32, #tpu.memory_space<vmem>>
          %swap3A_600 = arith.index_cast %mul3A_516 : i32 to index
          %swap3A_601 = tpu.vector_load %swap3A_599[%swap3A_600] {strides = array<i32>} : memref<4096xf32, #tpu.memory_space<vmem>>, vector<16xf32>,
          tpu.vector_store %swap3A_599[%swap3A_600], %gather3A_562 {strides = array<i32>} : memref<4096xf32, #tpu.memory_space<vmem>>, vector<16xf32>,
        }
        %scan3A_445 = arith.constant 32 : i32
        %dma_start3A_446 = arith.constant 1 : i32
        %dma_start3A_447 = arith.constant 0 : i32
        %dma_start3A_448 = arith.constant 0 : i32
        %dma_start3A_449 = arith.constant 0 : i32
        %dma_start3A_450 = tpu.memref_slice %arg7[%dma_start3A_446, %dma_start3A_447, %dma_start3A_448, %dma_start3A_449] : memref<2x1x1x4096xf32, #tpu.memory_space<vmem>> -> memref<1x1x1x4096xf32, #tpu.memory_space<vmem>>
        %dma_start3A_451 = tpu.memref_squeeze %dma_start3A_450 : memref<1x1x1x4096xf32, #tpu.memory_space<vmem>> -> memref<1x1x4096xf32, #tpu.memory_space<vmem>>
        %dma_start3A_452 = arith.constant 0 : i32
        %dma_start3A_453 = tpu.memref_slice %arg4[%add3A_404, %add3A_9, %dma_start3A_452] : memref<50x64x4096xf32, #tpu.memory_space<hbm>> -> memref<1x1x4096xf32, #tpu.memory_space<hbm>>
        %dma_start3A_454 = arith.constant 0 : i32
        %dma_start3A_455 = tpu.memref_slice %arg4[%add3A_404, %add3A_9, %dma_start3A_454] : memref<50x64x4096xf32, #tpu.memory_space<hbm>> -> memref<1x1x4096xf32, #tpu.memory_space<hbm>>
        %dma_start3A_456 = arith.constant 0 : i32
        %dma_start3A_457 = arith.constant 0 : i32
        %dma_start3A_458 = arith.constant 0 : i32
        %dma_start3A_459 = tpu.memref_slice %arg7[%dma_start3A_446, %dma_start3A_456, %dma_start3A_457, %dma_start3A_458] : memref<2x1x1x4096xf32, #tpu.memory_space<vmem>> -> memref<1x1x1x4096xf32, #tpu.memory_space<vmem>>
        %dma_start3A_460 = tpu.memref_squeeze %dma_start3A_459 : memref<1x1x1x4096xf32, #tpu.memory_space<vmem>> -> memref<1x1x4096xf32, #tpu.memory_space<vmem>>
        tpu.enqueue_dma source(%dma_start3A_460 : memref<1x1x4096xf32, #tpu.memory_space<vmem>>) target(%dma_start3A_455 : memref<1x1x4096xf32, #tpu.memory_space<hbm>>) target_semaphore(%arg13 : memref<!tpu.dma_semaphore, #tpu.memory_space<semaphore_mem>>)
        %add3A_461 = arith.constant 4 : i32
        %add3A_462 = arith.addi %add3A_404, %add3A_461 : i32
        %lt3A_463 = arith.constant 50 : i32
        %lt3A_464 = arith.cmpi slt, %add3A_462, %lt3A_463 : i32
        %convert_element_type3A_465 = arith.extui %lt3A_464 : i1 to i32
        %cond3A_466 = arith.constant 0 : i32
        %cond3A_467 = arith.cmpi ne, %convert_element_type3A_465, %cond3A_466 : i32
        scf.if %cond3A_467 {
          %add3A_468 = arith.constant 4 : i32
          %add3A_469 = arith.addi %add3A_404, %add3A_468 : i32
          %dma_start3A_470 = arith.constant 3 : i32
          %dma_start3A_471 = arith.constant 0 : i32
          %dma_start3A_472 = arith.constant 0 : i32
          %dma_start3A_473 = tpu.memref_slice %arg6[%dma_start3A_470, %dma_start3A_471, %dma_start3A_472] : memref<4x1x4096xi32, #tpu.memory_space<vmem>> -> memref<1x1x4096xi32, #tpu.memory_space<vmem>>
          %dma_start3A_474 = tpu.memref_squeeze %dma_start3A_473 : memref<1x1x4096xi32, #tpu.memory_space<vmem>> -> memref<1x4096xi32, #tpu.memory_space<vmem>>
          %dma_start3A_475 = arith.constant 0 : i32
          %dma_start3A_476 = tpu.memref_slice %arg2[%add3A_469, %dma_start3A_475] : memref<50x4096xi32, #tpu.memory_space<hbm>> -> memref<1x4096xi32, #tpu.memory_space<hbm>>
          %dma_start3A_477 = arith.constant 0 : i32
          %dma_start3A_478 = arith.constant 0 : i32
          %dma_start3A_479 = tpu.memref_slice %arg6[%dma_start3A_470, %dma_start3A_477, %dma_start3A_478] : memref<4x1x4096xi32, #tpu.memory_space<vmem>> -> memref<1x1x4096xi32, #tpu.memory_space<vmem>>
          %dma_start3A_480 = tpu.memref_squeeze %dma_start3A_479 : memref<1x1x4096xi32, #tpu.memory_space<vmem>> -> memref<1x4096xi32, #tpu.memory_space<vmem>>
          %dma_start3A_481 = arith.constant 0 : i32
          %dma_start3A_482 = tpu.memref_slice %arg2[%add3A_469, %dma_start3A_481] : memref<50x4096xi32, #tpu.memory_space<hbm>> -> memref<1x4096xi32, #tpu.memory_space<hbm>>
          tpu.enqueue_dma source(%dma_start3A_482 : memref<1x4096xi32, #tpu.memory_space<hbm>>) target(%dma_start3A_480 : memref<1x4096xi32, #tpu.memory_space<vmem>>) target_semaphore(%arg11 : memref<!tpu.dma_semaphore, #tpu.memory_space<semaphore_mem>>)
        } else {
        }
      }
      %scan3A_74 = arith.constant 12 : i32
      %dma_wait3A = arith.constant 0 : i32
      %dma_wait3A_75 = arith.constant 0 : i32
      %dma_wait3A_76 = arith.constant 0 : i32
      %dma_wait3A_77 = tpu.memref_slice %arg6[%dma_wait3A, %dma_wait3A_75, %dma_wait3A_76] : memref<4x1x4096xi32, #tpu.memory_space<vmem>> -> memref<1x1x4096xi32, #tpu.memory_space<vmem>>
      %dma_wait3A_78 = tpu.memref_squeeze %dma_wait3A_77 : memref<1x1x4096xi32, #tpu.memory_space<vmem>> -> memref<1x4096xi32, #tpu.memory_space<vmem>>
      %dma_wait3A_79 = arith.constant 48 : i32
      %dma_wait3A_80 = arith.constant 0 : i32
      %dma_wait3A_81 = tpu.memref_slice %arg2[%dma_wait3A_79, %dma_wait3A_80] : memref<50x4096xi32, #tpu.memory_space<hbm>> -> memref<1x4096xi32, #tpu.memory_space<hbm>>
      %dma_wait3A_82 = arith.constant 0 : i32
      %dma_wait3A_83 = arith.constant 0 : i32
      %dma_wait3A_84 = tpu.memref_slice %arg6[%dma_wait3A, %dma_wait3A_82, %dma_wait3A_83] : memref<4x1x4096xi32, #tpu.memory_space<vmem>> -> memref<1x1x4096xi32, #tpu.memory_space<vmem>>
      %dma_wait3A_85 = tpu.memref_squeeze %dma_wait3A_84 : memref<1x1x4096xi32, #tpu.memory_space<vmem>> -> memref<1x4096xi32, #tpu.memory_space<vmem>>
      %dma_wait3A_86 = arith.constant 48 : i32
      %dma_wait3A_87 = arith.constant 0 : i32
      %dma_wait3A_88 = tpu.memref_slice %arg2[%dma_wait3A_86, %dma_wait3A_87] : memref<50x4096xi32, #tpu.memory_space<hbm>> -> memref<1x4096xi32, #tpu.memory_space<hbm>>
      tpu.wait_dma2 semaphore(%arg8 : memref<!tpu.dma_semaphore, #tpu.memory_space<semaphore_mem>>) src(%dma_wait3A_88 : memref<1x4096xi32, #tpu.memory_space<hbm>>) dst(%dma_wait3A_85 : memref<1x4096xi32, #tpu.memory_space<vmem>>)
      %dma_wait3A_89 = arith.constant 0 : i32
      %dma_wait3A_90 = arith.constant 0 : i32
      %dma_wait3A_91 = arith.constant 0 : i32
      %dma_wait3A_92 = arith.constant 0 : i32
      %dma_wait3A_93 = tpu.memref_slice %arg7[%dma_wait3A_89, %dma_wait3A_90, %dma_wait3A_91, %dma_wait3A_92] : memref<2x1x1x4096xf32, #tpu.memory_space<vmem>> -> memref<1x1x1x4096xf32, #tpu.memory_space<vmem>>
      %dma_wait3A_94 = tpu.memref_squeeze %dma_wait3A_93 : memref<1x1x1x4096xf32, #tpu.memory_space<vmem>> -> memref<1x1x4096xf32, #tpu.memory_space<vmem>>
      %dma_wait3A_95 = arith.constant 46 : i32
      %dma_wait3A_96 = arith.constant 0 : i32
      %dma_wait3A_97 = tpu.memref_slice %arg4[%dma_wait3A_95, %add3A_9, %dma_wait3A_96] : memref<50x64x4096xf32, #tpu.memory_space<hbm>> -> memref<1x1x4096xf32, #tpu.memory_space<hbm>>
      %dma_wait3A_98 = arith.constant 46 : i32
      %dma_wait3A_99 = arith.constant 0 : i32
      %dma_wait3A_100 = tpu.memref_slice %arg4[%dma_wait3A_98, %add3A_9, %dma_wait3A_99] : memref<50x64x4096xf32, #tpu.memory_space<hbm>> -> memref<1x1x4096xf32, #tpu.memory_space<hbm>>
      %dma_wait3A_101 = arith.constant 0 : i32
      %dma_wait3A_102 = arith.constant 0 : i32
      %dma_wait3A_103 = arith.constant 0 : i32
      %dma_wait3A_104 = tpu.memref_slice %arg7[%dma_wait3A_89, %dma_wait3A_101, %dma_wait3A_102, %dma_wait3A_103] : memref<2x1x1x4096xf32, #tpu.memory_space<vmem>> -> memref<1x1x1x4096xf32, #tpu.memory_space<vmem>>
      %dma_wait3A_105 = tpu.memref_squeeze %dma_wait3A_104 : memref<1x1x1x4096xf32, #tpu.memory_space<vmem>> -> memref<1x1x4096xf32, #tpu.memory_space<vmem>>
      tpu.wait_dma2 semaphore(%arg12 : memref<!tpu.dma_semaphore, #tpu.memory_space<semaphore_mem>>) src(%dma_wait3A_105 : memref<1x1x4096xf32, #tpu.memory_space<vmem>>) dst(%dma_wait3A_100 : memref<1x1x4096xf32, #tpu.memory_space<hbm>>)
      %scan3A_106 = arith.constant 0 : i32
      %scan3A_107 = arith.constant 0 : i32
      %scan3A_108 = arith.constant 0 : i32
      %scan3A_109 = arith.constant 0 : i32
      %scan3A_110 = arith.constant 0 : i32
      %scan3A_111 = arith.constant 0 : i32
      %scan3A_112 = arith.constant 0 : i32
      %scan3A_113 = arith.constant 32 : i32
      %scan3A_114 = arith.addi %scan3A_112, %scan3A_113 : i32
      %scan3A_115 = arith.constant 1 : i32
      scf.for %scan3A_228 = %scan3A_112 to %scan3A_114 step %scan3A_115  : i32 {
        %mul3A_229 = arith.constant 8 : i32
        %mul3A_230 = arith.muli %scan3A_228, %mul3A_229 : i32
        %add3A_231 = arith.constant 0 : i32
        %add3A_232 = arith.addi %mul3A_230, %add3A_231 : i32
        %mul3A_233 = arith.constant 16 : i32
        %mul3A_234 = arith.muli %add3A_232, %mul3A_233 : i32
        %mul3A_235 = arith.constant 8 : i32
        %mul3A_236 = arith.muli %scan3A_228, %mul3A_235 : i32
        %add3A_237 = arith.constant 1 : i32
        %add3A_238 = arith.addi %mul3A_236, %add3A_237 : i32
        %mul3A_239 = arith.constant 16 : i32
        %mul3A_240 = arith.muli %add3A_238, %mul3A_239 : i32
        %mul3A_241 = arith.constant 8 : i32
        %mul3A_242 = arith.muli %scan3A_228, %mul3A_241 : i32
        %add3A_243 = arith.constant 2 : i32
        %add3A_244 = arith.addi %mul3A_242, %add3A_243 : i32
        %mul3A_245 = arith.constant 16 : i32
        %mul3A_246 = arith.muli %add3A_244, %mul3A_245 : i32
        %mul3A_247 = arith.constant 8 : i32
        %mul3A_248 = arith.muli %scan3A_228, %mul3A_247 : i32
        %add3A_249 = arith.constant 3 : i32
        %add3A_250 = arith.addi %mul3A_248, %add3A_249 : i32
        %mul3A_251 = arith.constant 16 : i32
        %mul3A_252 = arith.muli %add3A_250, %mul3A_251 : i32
        %mul3A_253 = arith.constant 8 : i32
        %mul3A_254 = arith.muli %scan3A_228, %mul3A_253 : i32
        %add3A_255 = arith.constant 4 : i32
        %add3A_256 = arith.addi %mul3A_254, %add3A_255 : i32
        %mul3A_257 = arith.constant 16 : i32
        %mul3A_258 = arith.muli %add3A_256, %mul3A_257 : i32
        %mul3A_259 = arith.constant 8 : i32
        %mul3A_260 = arith.muli %scan3A_228, %mul3A_259 : i32
        %add3A_261 = arith.constant 5 : i32
        %add3A_262 = arith.addi %mul3A_260, %add3A_261 : i32
        %mul3A_263 = arith.constant 16 : i32
        %mul3A_264 = arith.muli %add3A_262, %mul3A_263 : i32
        %mul3A_265 = arith.constant 8 : i32
        %mul3A_266 = arith.muli %scan3A_228, %mul3A_265 : i32
        %add3A_267 = arith.constant 6 : i32
        %add3A_268 = arith.addi %mul3A_266, %add3A_267 : i32
        %mul3A_269 = arith.constant 16 : i32
        %mul3A_270 = arith.muli %add3A_268, %mul3A_269 : i32
        %mul3A_271 = arith.constant 8 : i32
        %mul3A_272 = arith.muli %scan3A_228, %mul3A_271 : i32
        %add3A_273 = arith.constant 7 : i32
        %add3A_274 = arith.addi %mul3A_272, %add3A_273 : i32
        %mul3A_275 = arith.constant 16 : i32
        %mul3A_276 = arith.muli %add3A_274, %mul3A_275 : i32
        %get3A = arith.constant 0 : i32
        %get3A_277 = tpu.memref_slice %arg6[%scan3A_107, %scan3A_108, %get3A] : memref<4x1x4096xi32, #tpu.memory_space<vmem>> -> memref<1x1x4096xi32, #tpu.memory_space<vmem>>
        %get3A_278 = tpu.memref_squeeze %get3A_277 : memref<1x1x4096xi32, #tpu.memory_space<vmem>> -> memref<4096xi32, #tpu.memory_space<vmem>>
        %get3A_279 = arith.index_cast %mul3A_234 : i32 to index
        %get3A_280 = tpu.vector_load %get3A_278[%get3A_279] {strides = array<i32>} : memref<4096xi32, #tpu.memory_space<vmem>>, vector<16xi32>,
        %get3A_281 = arith.constant 0 : i32
        %get3A_282 = tpu.memref_slice %arg6[%scan3A_107, %scan3A_108, %get3A_281] : memref<4x1x4096xi32, #tpu.memory_space<vmem>> -> memref<1x1x4096xi32, #tpu.memory_space<vmem>>
        %get3A_283 = tpu.memref_squeeze %get3A_282 : memref<1x1x4096xi32, #tpu.memory_space<vmem>> -> memref<4096xi32, #tpu.memory_space<vmem>>
        %get3A_284 = arith.index_cast %mul3A_240 : i32 to index
        %get3A_285 = tpu.vector_load %get3A_283[%get3A_284] {strides = array<i32>} : memref<4096xi32, #tpu.memory_space<vmem>>, vector<16xi32>,
        %get3A_286 = arith.constant 0 : i32
        %get3A_287 = tpu.memref_slice %arg6[%scan3A_107, %scan3A_108, %get3A_286] : memref<4x1x4096xi32, #tpu.memory_space<vmem>> -> memref<1x1x4096xi32, #tpu.memory_space<vmem>>
        %get3A_288 = tpu.memref_squeeze %get3A_287 : memref<1x1x4096xi32, #tpu.memory_space<vmem>> -> memref<4096xi32, #tpu.memory_space<vmem>>
        %get3A_289 = arith.index_cast %mul3A_246 : i32 to index
        %get3A_290 = tpu.vector_load %get3A_288[%get3A_289] {strides = array<i32>} : memref<4096xi32, #tpu.memory_space<vmem>>, vector<16xi32>,
        %get3A_291 = arith.constant 0 : i32
        %get3A_292 = tpu.memref_slice %arg6[%scan3A_107, %scan3A_108, %get3A_291] : memref<4x1x4096xi32, #tpu.memory_space<vmem>> -> memref<1x1x4096xi32, #tpu.memory_space<vmem>>
        %get3A_293 = tpu.memref_squeeze %get3A_292 : memref<1x1x4096xi32, #tpu.memory_space<vmem>> -> memref<4096xi32, #tpu.memory_space<vmem>>
        %get3A_294 = arith.index_cast %mul3A_252 : i32 to index
        %get3A_295 = tpu.vector_load %get3A_293[%get3A_294] {strides = array<i32>} : memref<4096xi32, #tpu.memory_space<vmem>>, vector<16xi32>,
        %get3A_296 = arith.constant 0 : i32
        %get3A_297 = tpu.memref_slice %arg6[%scan3A_107, %scan3A_108, %get3A_296] : memref<4x1x4096xi32, #tpu.memory_space<vmem>> -> memref<1x1x4096xi32, #tpu.memory_space<vmem>>
        %get3A_298 = tpu.memref_squeeze %get3A_297 : memref<1x1x4096xi32, #tpu.memory_space<vmem>> -> memref<4096xi32, #tpu.memory_space<vmem>>
        %get3A_299 = arith.index_cast %mul3A_258 : i32 to index
        %get3A_300 = tpu.vector_load %get3A_298[%get3A_299] {strides = array<i32>} : memref<4096xi32, #tpu.memory_space<vmem>>, vector<16xi32>,
        %get3A_301 = arith.constant 0 : i32
        %get3A_302 = tpu.memref_slice %arg6[%scan3A_107, %scan3A_108, %get3A_301] : memref<4x1x4096xi32, #tpu.memory_space<vmem>> -> memref<1x1x4096xi32, #tpu.memory_space<vmem>>
        %get3A_303 = tpu.memref_squeeze %get3A_302 : memref<1x1x4096xi32, #tpu.memory_space<vmem>> -> memref<4096xi32, #tpu.memory_space<vmem>>
        %get3A_304 = arith.index_cast %mul3A_264 : i32 to index
        %get3A_305 = tpu.vector_load %get3A_303[%get3A_304] {strides = array<i32>} : memref<4096xi32, #tpu.memory_space<vmem>>, vector<16xi32>,
        %get3A_306 = arith.constant 0 : i32
        %get3A_307 = tpu.memref_slice %arg6[%scan3A_107, %scan3A_108, %get3A_306] : memref<4x1x4096xi32, #tpu.memory_space<vmem>> -> memref<1x1x4096xi32, #tpu.memory_space<vmem>>
        %get3A_308 = tpu.memref_squeeze %get3A_307 : memref<1x1x4096xi32, #tpu.memory_space<vmem>> -> memref<4096xi32, #tpu.memory_space<vmem>>
        %get3A_309 = arith.index_cast %mul3A_270 : i32 to index
        %get3A_310 = tpu.vector_load %get3A_308[%get3A_309] {strides = array<i32>} : memref<4096xi32, #tpu.memory_space<vmem>>, vector<16xi32>,
        %get3A_311 = arith.constant 0 : i32
        %get3A_312 = tpu.memref_slice %arg6[%scan3A_107, %scan3A_108, %get3A_311] : memref<4x1x4096xi32, #tpu.memory_space<vmem>> -> memref<1x1x4096xi32, #tpu.memory_space<vmem>>
        %get3A_313 = tpu.memref_squeeze %get3A_312 : memref<1x1x4096xi32, #tpu.memory_space<vmem>> -> memref<4096xi32, #tpu.memory_space<vmem>>
        %get3A_314 = arith.index_cast %mul3A_276 : i32 to index
        %get3A_315 = tpu.vector_load %get3A_313[%get3A_314] {strides = array<i32>} : memref<4096xi32, #tpu.memory_space<vmem>>, vector<16xi32>,
        %gather3A = tpu.vector_load_idx %arg5[%get3A_280] : memref<100000xf32, #tpu.memory_space<vmem>>[vector<16xi32>], vector<16xf32>,
        %gather3A_316 = tpu.vector_load_idx %arg5[%get3A_285] : memref<100000xf32, #tpu.memory_space<vmem>>[vector<16xi32>], vector<16xf32>,
        %gather3A_317 = tpu.vector_load_idx %arg5[%get3A_290] : memref<100000xf32, #tpu.memory_space<vmem>>[vector<16xi32>], vector<16xf32>,
        %gather3A_318 = tpu.vector_load_idx %arg5[%get3A_295] : memref<100000xf32, #tpu.memory_space<vmem>>[vector<16xi32>], vector<16xf32>,
        %gather3A_319 = tpu.vector_load_idx %arg5[%get3A_300] : memref<100000xf32, #tpu.memory_space<vmem>>[vector<16xi32>], vector<16xf32>,
        %gather3A_320 = tpu.vector_load_idx %arg5[%get3A_305] : memref<100000xf32, #tpu.memory_space<vmem>>[vector<16xi32>], vector<16xf32>,
        %gather3A_321 = tpu.vector_load_idx %arg5[%get3A_310] : memref<100000xf32, #tpu.memory_space<vmem>>[vector<16xi32>], vector<16xf32>,
        %gather3A_322 = tpu.vector_load_idx %arg5[%get3A_315] : memref<100000xf32, #tpu.memory_space<vmem>>[vector<16xi32>], vector<16xf32>,
        %swap3A = arith.constant 0 : i32
        %swap3A_323 = tpu.memref_slice %arg7[%scan3A_109, %scan3A_110, %scan3A_111, %swap3A] : memref<2x1x1x4096xf32, #tpu.memory_space<vmem>> -> memref<1x1x1x4096xf32, #tpu.memory_space<vmem>>
        %swap3A_324 = tpu.memref_squeeze %swap3A_323 : memref<1x1x1x4096xf32, #tpu.memory_space<vmem>> -> memref<4096xf32, #tpu.memory_space<vmem>>
        %swap3A_325 = arith.index_cast %mul3A_234 : i32 to index
        %swap3A_326 = tpu.vector_load %swap3A_324[%swap3A_325] {strides = array<i32>} : memref<4096xf32, #tpu.memory_space<vmem>>, vector<16xf32>,
        tpu.vector_store %swap3A_324[%swap3A_325], %gather3A {strides = array<i32>} : memref<4096xf32, #tpu.memory_space<vmem>>, vector<16xf32>,
        %swap3A_327 = arith.constant 0 : i32
        %swap3A_328 = tpu.memref_slice %arg7[%scan3A_109, %scan3A_110, %scan3A_111, %swap3A_327] : memref<2x1x1x4096xf32, #tpu.memory_space<vmem>> -> memref<1x1x1x4096xf32, #tpu.memory_space<vmem>>
        %swap3A_329 = tpu.memref_squeeze %swap3A_328 : memref<1x1x1x4096xf32, #tpu.memory_space<vmem>> -> memref<4096xf32, #tpu.memory_space<vmem>>
        %swap3A_330 = arith.index_cast %mul3A_240 : i32 to index
        %swap3A_331 = tpu.vector_load %swap3A_329[%swap3A_330] {strides = array<i32>} : memref<4096xf32, #tpu.memory_space<vmem>>, vector<16xf32>,
        tpu.vector_store %swap3A_329[%swap3A_330], %gather3A_316 {strides = array<i32>} : memref<4096xf32, #tpu.memory_space<vmem>>, vector<16xf32>,
        %swap3A_332 = arith.constant 0 : i32
        %swap3A_333 = tpu.memref_slice %arg7[%scan3A_109, %scan3A_110, %scan3A_111, %swap3A_332] : memref<2x1x1x4096xf32, #tpu.memory_space<vmem>> -> memref<1x1x1x4096xf32, #tpu.memory_space<vmem>>
        %swap3A_334 = tpu.memref_squeeze %swap3A_333 : memref<1x1x1x4096xf32, #tpu.memory_space<vmem>> -> memref<4096xf32, #tpu.memory_space<vmem>>
        %swap3A_335 = arith.index_cast %mul3A_246 : i32 to index
        %swap3A_336 = tpu.vector_load %swap3A_334[%swap3A_335] {strides = array<i32>} : memref<4096xf32, #tpu.memory_space<vmem>>, vector<16xf32>,
        tpu.vector_store %swap3A_334[%swap3A_335], %gather3A_317 {strides = array<i32>} : memref<4096xf32, #tpu.memory_space<vmem>>, vector<16xf32>,
        %swap3A_337 = arith.constant 0 : i32
        %swap3A_338 = tpu.memref_slice %arg7[%scan3A_109, %scan3A_110, %scan3A_111, %swap3A_337] : memref<2x1x1x4096xf32, #tpu.memory_space<vmem>> -> memref<1x1x1x4096xf32, #tpu.memory_space<vmem>>
        %swap3A_339 = tpu.memref_squeeze %swap3A_338 : memref<1x1x1x4096xf32, #tpu.memory_space<vmem>> -> memref<4096xf32, #tpu.memory_space<vmem>>
        %swap3A_340 = arith.index_cast %mul3A_252 : i32 to index
        %swap3A_341 = tpu.vector_load %swap3A_339[%swap3A_340] {strides = array<i32>} : memref<4096xf32, #tpu.memory_space<vmem>>, vector<16xf32>,
        tpu.vector_store %swap3A_339[%swap3A_340], %gather3A_318 {strides = array<i32>} : memref<4096xf32, #tpu.memory_space<vmem>>, vector<16xf32>,
        %swap3A_342 = arith.constant 0 : i32
        %swap3A_343 = tpu.memref_slice %arg7[%scan3A_109, %scan3A_110, %scan3A_111, %swap3A_342] : memref<2x1x1x4096xf32, #tpu.memory_space<vmem>> -> memref<1x1x1x4096xf32, #tpu.memory_space<vmem>>
        %swap3A_344 = tpu.memref_squeeze %swap3A_343 : memref<1x1x1x4096xf32, #tpu.memory_space<vmem>> -> memref<4096xf32, #tpu.memory_space<vmem>>
        %swap3A_345 = arith.index_cast %mul3A_258 : i32 to index
        %swap3A_346 = tpu.vector_load %swap3A_344[%swap3A_345] {strides = array<i32>} : memref<4096xf32, #tpu.memory_space<vmem>>, vector<16xf32>,
        tpu.vector_store %swap3A_344[%swap3A_345], %gather3A_319 {strides = array<i32>} : memref<4096xf32, #tpu.memory_space<vmem>>, vector<16xf32>,
        %swap3A_347 = arith.constant 0 : i32
        %swap3A_348 = tpu.memref_slice %arg7[%scan3A_109, %scan3A_110, %scan3A_111, %swap3A_347] : memref<2x1x1x4096xf32, #tpu.memory_space<vmem>> -> memref<1x1x1x4096xf32, #tpu.memory_space<vmem>>
        %swap3A_349 = tpu.memref_squeeze %swap3A_348 : memref<1x1x1x4096xf32, #tpu.memory_space<vmem>> -> memref<4096xf32, #tpu.memory_space<vmem>>
        %swap3A_350 = arith.index_cast %mul3A_264 : i32 to index
        %swap3A_351 = tpu.vector_load %swap3A_349[%swap3A_350] {strides = array<i32>} : memref<4096xf32, #tpu.memory_space<vmem>>, vector<16xf32>,
        tpu.vector_store %swap3A_349[%swap3A_350], %gather3A_320 {strides = array<i32>} : memref<4096xf32, #tpu.memory_space<vmem>>, vector<16xf32>,
        %swap3A_352 = arith.constant 0 : i32
        %swap3A_353 = tpu.memref_slice %arg7[%scan3A_109, %scan3A_110, %scan3A_111, %swap3A_352] : memref<2x1x1x4096xf32, #tpu.memory_space<vmem>> -> memref<1x1x1x4096xf32, #tpu.memory_space<vmem>>
        %swap3A_354 = tpu.memref_squeeze %swap3A_353 : memref<1x1x1x4096xf32, #tpu.memory_space<vmem>> -> memref<4096xf32, #tpu.memory_space<vmem>>
        %swap3A_355 = arith.index_cast %mul3A_270 : i32 to index
        %swap3A_356 = tpu.vector_load %swap3A_354[%swap3A_355] {strides = array<i32>} : memref<4096xf32, #tpu.memory_space<vmem>>, vector<16xf32>,
        tpu.vector_store %swap3A_354[%swap3A_355], %gather3A_321 {strides = array<i32>} : memref<4096xf32, #tpu.memory_space<vmem>>, vector<16xf32>,
        %swap3A_357 = arith.constant 0 : i32
        %swap3A_358 = tpu.memref_slice %arg7[%scan3A_109, %scan3A_110, %scan3A_111, %swap3A_357] : memref<2x1x1x4096xf32, #tpu.memory_space<vmem>> -> memref<1x1x1x4096xf32, #tpu.memory_space<vmem>>
        %swap3A_359 = tpu.memref_squeeze %swap3A_358 : memref<1x1x1x4096xf32, #tpu.memory_space<vmem>> -> memref<4096xf32, #tpu.memory_space<vmem>>
        %swap3A_360 = arith.index_cast %mul3A_276 : i32 to index
        %swap3A_361 = tpu.vector_load %swap3A_359[%swap3A_360] {strides = array<i32>} : memref<4096xf32, #tpu.memory_space<vmem>>, vector<16xf32>,
        tpu.vector_store %swap3A_359[%swap3A_360], %gather3A_322 {strides = array<i32>} : memref<4096xf32, #tpu.memory_space<vmem>>, vector<16xf32>,
      }
      %scan3A_116 = arith.constant 32 : i32
      %dma_start3A_117 = arith.constant 0 : i32
      %dma_start3A_118 = arith.constant 0 : i32
      %dma_start3A_119 = arith.constant 0 : i32
      %dma_start3A_120 = arith.constant 0 : i32
      %dma_start3A_121 = tpu.memref_slice %arg7[%dma_start3A_117, %dma_start3A_118, %dma_start3A_119, %dma_start3A_120] : memref<2x1x1x4096xf32, #tpu.memory_space<vmem>> -> memref<1x1x1x4096xf32, #tpu.memory_space<vmem>>
      %dma_start3A_122 = tpu.memref_squeeze %dma_start3A_121 : memref<1x1x1x4096xf32, #tpu.memory_space<vmem>> -> memref<1x1x4096xf32, #tpu.memory_space<vmem>>
      %dma_start3A_123 = arith.constant 48 : i32
      %dma_start3A_124 = arith.constant 0 : i32
      %dma_start3A_125 = tpu.memref_slice %arg4[%dma_start3A_123, %add3A_9, %dma_start3A_124] : memref<50x64x4096xf32, #tpu.memory_space<hbm>> -> memref<1x1x4096xf32, #tpu.memory_space<hbm>>
      %dma_start3A_126 = arith.constant 48 : i32
      %dma_start3A_127 = arith.constant 0 : i32
      %dma_start3A_128 = tpu.memref_slice %arg4[%dma_start3A_126, %add3A_9, %dma_start3A_127] : memref<50x64x4096xf32, #tpu.memory_space<hbm>> -> memref<1x1x4096xf32, #tpu.memory_space<hbm>>
      %dma_start3A_129 = arith.constant 0 : i32
      %dma_start3A_130 = arith.constant 0 : i32
      %dma_start3A_131 = arith.constant 0 : i32
      %dma_start3A_132 = tpu.memref_slice %arg7[%dma_start3A_117, %dma_start3A_129, %dma_start3A_130, %dma_start3A_131] : memref<2x1x1x4096xf32, #tpu.memory_space<vmem>> -> memref<1x1x1x4096xf32, #tpu.memory_space<vmem>>
      %dma_start3A_133 = tpu.memref_squeeze %dma_start3A_132 : memref<1x1x1x4096xf32, #tpu.memory_space<vmem>> -> memref<1x1x4096xf32, #tpu.memory_space<vmem>>
      tpu.enqueue_dma source(%dma_start3A_133 : memref<1x1x4096xf32, #tpu.memory_space<vmem>>) target(%dma_start3A_128 : memref<1x1x4096xf32, #tpu.memory_space<hbm>>) target_semaphore(%arg12 : memref<!tpu.dma_semaphore, #tpu.memory_space<semaphore_mem>>)
      %dma_wait3A_134 = arith.constant 1 : i32
      %dma_wait3A_135 = arith.constant 0 : i32
      %dma_wait3A_136 = arith.constant 0 : i32
      %dma_wait3A_137 = tpu.memref_slice %arg6[%dma_wait3A_134, %dma_wait3A_135, %dma_wait3A_136] : memref<4x1x4096xi32, #tpu.memory_space<vmem>> -> memref<1x1x4096xi32, #tpu.memory_space<vmem>>
      %dma_wait3A_138 = tpu.memref_squeeze %dma_wait3A_137 : memref<1x1x4096xi32, #tpu.memory_space<vmem>> -> memref<1x4096xi32, #tpu.memory_space<vmem>>
      %dma_wait3A_139 = arith.constant 49 : i32
      %dma_wait3A_140 = arith.constant 0 : i32
      %dma_wait3A_141 = tpu.memref_slice %arg2[%dma_wait3A_139, %dma_wait3A_140] : memref<50x4096xi32, #tpu.memory_space<hbm>> -> memref<1x4096xi32, #tpu.memory_space<hbm>>
      %dma_wait3A_142 = arith.constant 0 : i32
      %dma_wait3A_143 = arith.constant 0 : i32
      %dma_wait3A_144 = tpu.memref_slice %arg6[%dma_wait3A_134, %dma_wait3A_142, %dma_wait3A_143] : memref<4x1x4096xi32, #tpu.memory_space<vmem>> -> memref<1x1x4096xi32, #tpu.memory_space<vmem>>
      %dma_wait3A_145 = tpu.memref_squeeze %dma_wait3A_144 : memref<1x1x4096xi32, #tpu.memory_space<vmem>> -> memref<1x4096xi32, #tpu.memory_space<vmem>>
      %dma_wait3A_146 = arith.constant 49 : i32
      %dma_wait3A_147 = arith.constant 0 : i32
      %dma_wait3A_148 = tpu.memref_slice %arg2[%dma_wait3A_146, %dma_wait3A_147] : memref<50x4096xi32, #tpu.memory_space<hbm>> -> memref<1x4096xi32, #tpu.memory_space<hbm>>
      tpu.wait_dma2 semaphore(%arg9 : memref<!tpu.dma_semaphore, #tpu.memory_space<semaphore_mem>>) src(%dma_wait3A_148 : memref<1x4096xi32, #tpu.memory_space<hbm>>) dst(%dma_wait3A_145 : memref<1x4096xi32, #tpu.memory_space<vmem>>)
      %dma_wait3A_149 = arith.constant 1 : i32
      %dma_wait3A_150 = arith.constant 0 : i32
      %dma_wait3A_151 = arith.constant 0 : i32
      %dma_wait3A_152 = arith.constant 0 : i32
      %dma_wait3A_153 = tpu.memref_slice %arg7[%dma_wait3A_149, %dma_wait3A_150, %dma_wait3A_151, %dma_wait3A_152] : memref<2x1x1x4096xf32, #tpu.memory_space<vmem>> -> memref<1x1x1x4096xf32, #tpu.memory_space<vmem>>
      %dma_wait3A_154 = tpu.memref_squeeze %dma_wait3A_153 : memref<1x1x1x4096xf32, #tpu.memory_space<vmem>> -> memref<1x1x4096xf32, #tpu.memory_space<vmem>>
      %dma_wait3A_155 = arith.constant 47 : i32
      %dma_wait3A_156 = arith.constant 0 : i32
      %dma_wait3A_157 = tpu.memref_slice %arg4[%dma_wait3A_155, %add3A_9, %dma_wait3A_156] : memref<50x64x4096xf32, #tpu.memory_space<hbm>> -> memref<1x1x4096xf32, #tpu.memory_space<hbm>>
      %dma_wait3A_158 = arith.constant 47 : i32
      %dma_wait3A_159 = arith.constant 0 : i32
      %dma_wait3A_160 = tpu.memref_slice %arg4[%dma_wait3A_158, %add3A_9, %dma_wait3A_159] : memref<50x64x4096xf32, #tpu.memory_space<hbm>> -> memref<1x1x4096xf32, #tpu.memory_space<hbm>>
      %dma_wait3A_161 = arith.constant 0 : i32
      %dma_wait3A_162 = arith.constant 0 : i32
      %dma_wait3A_163 = arith.constant 0 : i32
      %dma_wait3A_164 = tpu.memref_slice %arg7[%dma_wait3A_149, %dma_wait3A_161, %dma_wait3A_162, %dma_wait3A_163] : memref<2x1x1x4096xf32, #tpu.memory_space<vmem>> -> memref<1x1x1x4096xf32, #tpu.memory_space<vmem>>
      %dma_wait3A_165 = tpu.memref_squeeze %dma_wait3A_164 : memref<1x1x1x4096xf32, #tpu.memory_space<vmem>> -> memref<1x1x4096xf32, #tpu.memory_space<vmem>>
      tpu.wait_dma2 semaphore(%arg13 : memref<!tpu.dma_semaphore, #tpu.memory_space<semaphore_mem>>) src(%dma_wait3A_165 : memref<1x1x4096xf32, #tpu.memory_space<vmem>>) dst(%dma_wait3A_160 : memref<1x1x4096xf32, #tpu.memory_space<hbm>>)
      %scan3A_166 = arith.constant 0 : i32
      %scan3A_167 = arith.constant 1 : i32
      %scan3A_168 = arith.constant 0 : i32
      %scan3A_169 = arith.constant 1 : i32
      %scan3A_170 = arith.constant 0 : i32
      %scan3A_171 = arith.constant 0 : i32
      %scan3A_172 = arith.constant 0 : i32
      %scan3A_173 = arith.constant 32 : i32
      %scan3A_174 = arith.addi %scan3A_172, %scan3A_173 : i32
      %scan3A_175 = arith.constant 1 : i32
      scf.for %scan3A_228 = %scan3A_172 to %scan3A_174 step %scan3A_175  : i32 {
        %mul3A_229 = arith.constant 8 : i32
        %mul3A_230 = arith.muli %scan3A_228, %mul3A_229 : i32
        %add3A_231 = arith.constant 0 : i32
        %add3A_232 = arith.addi %mul3A_230, %add3A_231 : i32
        %mul3A_233 = arith.constant 16 : i32
        %mul3A_234 = arith.muli %add3A_232, %mul3A_233 : i32
        %mul3A_235 = arith.constant 8 : i32
        %mul3A_236 = arith.muli %scan3A_228, %mul3A_235 : i32
        %add3A_237 = arith.constant 1 : i32
        %add3A_238 = arith.addi %mul3A_236, %add3A_237 : i32
        %mul3A_239 = arith.constant 16 : i32
        %mul3A_240 = arith.muli %add3A_238, %mul3A_239 : i32
        %mul3A_241 = arith.constant 8 : i32
        %mul3A_242 = arith.muli %scan3A_228, %mul3A_241 : i32
        %add3A_243 = arith.constant 2 : i32
        %add3A_244 = arith.addi %mul3A_242, %add3A_243 : i32
        %mul3A_245 = arith.constant 16 : i32
        %mul3A_246 = arith.muli %add3A_244, %mul3A_245 : i32
        %mul3A_247 = arith.constant 8 : i32
        %mul3A_248 = arith.muli %scan3A_228, %mul3A_247 : i32
        %add3A_249 = arith.constant 3 : i32
        %add3A_250 = arith.addi %mul3A_248, %add3A_249 : i32
        %mul3A_251 = arith.constant 16 : i32
        %mul3A_252 = arith.muli %add3A_250, %mul3A_251 : i32
        %mul3A_253 = arith.constant 8 : i32
        %mul3A_254 = arith.muli %scan3A_228, %mul3A_253 : i32
        %add3A_255 = arith.constant 4 : i32
        %add3A_256 = arith.addi %mul3A_254, %add3A_255 : i32
        %mul3A_257 = arith.constant 16 : i32
        %mul3A_258 = arith.muli %add3A_256, %mul3A_257 : i32
        %mul3A_259 = arith.constant 8 : i32
        %mul3A_260 = arith.muli %scan3A_228, %mul3A_259 : i32
        %add3A_261 = arith.constant 5 : i32
        %add3A_262 = arith.addi %mul3A_260, %add3A_261 : i32
        %mul3A_263 = arith.constant 16 : i32
        %mul3A_264 = arith.muli %add3A_262, %mul3A_263 : i32
        %mul3A_265 = arith.constant 8 : i32
        %mul3A_266 = arith.muli %scan3A_228, %mul3A_265 : i32
        %add3A_267 = arith.constant 6 : i32
        %add3A_268 = arith.addi %mul3A_266, %add3A_267 : i32
        %mul3A_269 = arith.constant 16 : i32
        %mul3A_270 = arith.muli %add3A_268, %mul3A_269 : i32
        %mul3A_271 = arith.constant 8 : i32
        %mul3A_272 = arith.muli %scan3A_228, %mul3A_271 : i32
        %add3A_273 = arith.constant 7 : i32
        %add3A_274 = arith.addi %mul3A_272, %add3A_273 : i32
        %mul3A_275 = arith.constant 16 : i32
        %mul3A_276 = arith.muli %add3A_274, %mul3A_275 : i32
        %get3A = arith.constant 0 : i32
        %get3A_277 = tpu.memref_slice %arg6[%scan3A_167, %scan3A_168, %get3A] : memref<4x1x4096xi32, #tpu.memory_space<vmem>> -> memref<1x1x4096xi32, #tpu.memory_space<vmem>>
        %get3A_278 = tpu.memref_squeeze %get3A_277 : memref<1x1x4096xi32, #tpu.memory_space<vmem>> -> memref<4096xi32, #tpu.memory_space<vmem>>
        %get3A_279 = arith.index_cast %mul3A_234 : i32 to index
        %get3A_280 = tpu.vector_load %get3A_278[%get3A_279] {strides = array<i32>} : memref<4096xi32, #tpu.memory_space<vmem>>, vector<16xi32>,
        %get3A_281 = arith.constant 0 : i32
        %get3A_282 = tpu.memref_slice %arg6[%scan3A_167, %scan3A_168, %get3A_281] : memref<4x1x4096xi32, #tpu.memory_space<vmem>> -> memref<1x1x4096xi32, #tpu.memory_space<vmem>>
        %get3A_283 = tpu.memref_squeeze %get3A_282 : memref<1x1x4096xi32, #tpu.memory_space<vmem>> -> memref<4096xi32, #tpu.memory_space<vmem>>
        %get3A_284 = arith.index_cast %mul3A_240 : i32 to index
        %get3A_285 = tpu.vector_load %get3A_283[%get3A_284] {strides = array<i32>} : memref<4096xi32, #tpu.memory_space<vmem>>, vector<16xi32>,
        %get3A_286 = arith.constant 0 : i32
        %get3A_287 = tpu.memref_slice %arg6[%scan3A_167, %scan3A_168, %get3A_286] : memref<4x1x4096xi32, #tpu.memory_space<vmem>> -> memref<1x1x4096xi32, #tpu.memory_space<vmem>>
        %get3A_288 = tpu.memref_squeeze %get3A_287 : memref<1x1x4096xi32, #tpu.memory_space<vmem>> -> memref<4096xi32, #tpu.memory_space<vmem>>
        %get3A_289 = arith.index_cast %mul3A_246 : i32 to index
        %get3A_290 = tpu.vector_load %get3A_288[%get3A_289] {strides = array<i32>} : memref<4096xi32, #tpu.memory_space<vmem>>, vector<16xi32>,
        %get3A_291 = arith.constant 0 : i32
        %get3A_292 = tpu.memref_slice %arg6[%scan3A_167, %scan3A_168, %get3A_291] : memref<4x1x4096xi32, #tpu.memory_space<vmem>> -> memref<1x1x4096xi32, #tpu.memory_space<vmem>>
        %get3A_293 = tpu.memref_squeeze %get3A_292 : memref<1x1x4096xi32, #tpu.memory_space<vmem>> -> memref<4096xi32, #tpu.memory_space<vmem>>
        %get3A_294 = arith.index_cast %mul3A_252 : i32 to index
        %get3A_295 = tpu.vector_load %get3A_293[%get3A_294] {strides = array<i32>} : memref<4096xi32, #tpu.memory_space<vmem>>, vector<16xi32>,
        %get3A_296 = arith.constant 0 : i32
        %get3A_297 = tpu.memref_slice %arg6[%scan3A_167, %scan3A_168, %get3A_296] : memref<4x1x4096xi32, #tpu.memory_space<vmem>> -> memref<1x1x4096xi32, #tpu.memory_space<vmem>>
        %get3A_298 = tpu.memref_squeeze %get3A_297 : memref<1x1x4096xi32, #tpu.memory_space<vmem>> -> memref<4096xi32, #tpu.memory_space<vmem>>
        %get3A_299 = arith.index_cast %mul3A_258 : i32 to index
        %get3A_300 = tpu.vector_load %get3A_298[%get3A_299] {strides = array<i32>} : memref<4096xi32, #tpu.memory_space<vmem>>, vector<16xi32>,
        %get3A_301 = arith.constant 0 : i32
        %get3A_302 = tpu.memref_slice %arg6[%scan3A_167, %scan3A_168, %get3A_301] : memref<4x1x4096xi32, #tpu.memory_space<vmem>> -> memref<1x1x4096xi32, #tpu.memory_space<vmem>>
        %get3A_303 = tpu.memref_squeeze %get3A_302 : memref<1x1x4096xi32, #tpu.memory_space<vmem>> -> memref<4096xi32, #tpu.memory_space<vmem>>
        %get3A_304 = arith.index_cast %mul3A_264 : i32 to index
        %get3A_305 = tpu.vector_load %get3A_303[%get3A_304] {strides = array<i32>} : memref<4096xi32, #tpu.memory_space<vmem>>, vector<16xi32>,
        %get3A_306 = arith.constant 0 : i32
        %get3A_307 = tpu.memref_slice %arg6[%scan3A_167, %scan3A_168, %get3A_306] : memref<4x1x4096xi32, #tpu.memory_space<vmem>> -> memref<1x1x4096xi32, #tpu.memory_space<vmem>>
        %get3A_308 = tpu.memref_squeeze %get3A_307 : memref<1x1x4096xi32, #tpu.memory_space<vmem>> -> memref<4096xi32, #tpu.memory_space<vmem>>
        %get3A_309 = arith.index_cast %mul3A_270 : i32 to index
        %get3A_310 = tpu.vector_load %get3A_308[%get3A_309] {strides = array<i32>} : memref<4096xi32, #tpu.memory_space<vmem>>, vector<16xi32>,
        %get3A_311 = arith.constant 0 : i32
        %get3A_312 = tpu.memref_slice %arg6[%scan3A_167, %scan3A_168, %get3A_311] : memref<4x1x4096xi32, #tpu.memory_space<vmem>> -> memref<1x1x4096xi32, #tpu.memory_space<vmem>>
        %get3A_313 = tpu.memref_squeeze %get3A_312 : memref<1x1x4096xi32, #tpu.memory_space<vmem>> -> memref<4096xi32, #tpu.memory_space<vmem>>
        %get3A_314 = arith.index_cast %mul3A_276 : i32 to index
        %get3A_315 = tpu.vector_load %get3A_313[%get3A_314] {strides = array<i32>} : memref<4096xi32, #tpu.memory_space<vmem>>, vector<16xi32>,
        %gather3A = tpu.vector_load_idx %arg5[%get3A_280] : memref<100000xf32, #tpu.memory_space<vmem>>[vector<16xi32>], vector<16xf32>,
        %gather3A_316 = tpu.vector_load_idx %arg5[%get3A_285] : memref<100000xf32, #tpu.memory_space<vmem>>[vector<16xi32>], vector<16xf32>,
        %gather3A_317 = tpu.vector_load_idx %arg5[%get3A_290] : memref<100000xf32, #tpu.memory_space<vmem>>[vector<16xi32>], vector<16xf32>,
        %gather3A_318 = tpu.vector_load_idx %arg5[%get3A_295] : memref<100000xf32, #tpu.memory_space<vmem>>[vector<16xi32>], vector<16xf32>,
        %gather3A_319 = tpu.vector_load_idx %arg5[%get3A_300] : memref<100000xf32, #tpu.memory_space<vmem>>[vector<16xi32>], vector<16xf32>,
        %gather3A_320 = tpu.vector_load_idx %arg5[%get3A_305] : memref<100000xf32, #tpu.memory_space<vmem>>[vector<16xi32>], vector<16xf32>,
        %gather3A_321 = tpu.vector_load_idx %arg5[%get3A_310] : memref<100000xf32, #tpu.memory_space<vmem>>[vector<16xi32>], vector<16xf32>,
        %gather3A_322 = tpu.vector_load_idx %arg5[%get3A_315] : memref<100000xf32, #tpu.memory_space<vmem>>[vector<16xi32>], vector<16xf32>,
        %swap3A = arith.constant 0 : i32
        %swap3A_323 = tpu.memref_slice %arg7[%scan3A_169, %scan3A_170, %scan3A_171, %swap3A] : memref<2x1x1x4096xf32, #tpu.memory_space<vmem>> -> memref<1x1x1x4096xf32, #tpu.memory_space<vmem>>
        %swap3A_324 = tpu.memref_squeeze %swap3A_323 : memref<1x1x1x4096xf32, #tpu.memory_space<vmem>> -> memref<4096xf32, #tpu.memory_space<vmem>>
        %swap3A_325 = arith.index_cast %mul3A_234 : i32 to index
        %swap3A_326 = tpu.vector_load %swap3A_324[%swap3A_325] {strides = array<i32>} : memref<4096xf32, #tpu.memory_space<vmem>>, vector<16xf32>,
        tpu.vector_store %swap3A_324[%swap3A_325], %gather3A {strides = array<i32>} : memref<4096xf32, #tpu.memory_space<vmem>>, vector<16xf32>,
        %swap3A_327 = arith.constant 0 : i32
        %swap3A_328 = tpu.memref_slice %arg7[%scan3A_169, %scan3A_170, %scan3A_171, %swap3A_327] : memref<2x1x1x4096xf32, #tpu.memory_space<vmem>> -> memref<1x1x1x4096xf32, #tpu.memory_space<vmem>>
        %swap3A_329 = tpu.memref_squeeze %swap3A_328 : memref<1x1x1x4096xf32, #tpu.memory_space<vmem>> -> memref<4096xf32, #tpu.memory_space<vmem>>
        %swap3A_330 = arith.index_cast %mul3A_240 : i32 to index
        %swap3A_331 = tpu.vector_load %swap3A_329[%swap3A_330] {strides = array<i32>} : memref<4096xf32, #tpu.memory_space<vmem>>, vector<16xf32>,
        tpu.vector_store %swap3A_329[%swap3A_330], %gather3A_316 {strides = array<i32>} : memref<4096xf32, #tpu.memory_space<vmem>>, vector<16xf32>,
        %swap3A_332 = arith.constant 0 : i32
        %swap3A_333 = tpu.memref_slice %arg7[%scan3A_169, %scan3A_170, %scan3A_171, %swap3A_332] : memref<2x1x1x4096xf32, #tpu.memory_space<vmem>> -> memref<1x1x1x4096xf32, #tpu.memory_space<vmem>>
        %swap3A_334 = tpu.memref_squeeze %swap3A_333 : memref<1x1x1x4096xf32, #tpu.memory_space<vmem>> -> memref<4096xf32, #tpu.memory_space<vmem>>
        %swap3A_335 = arith.index_cast %mul3A_246 : i32 to index
        %swap3A_336 = tpu.vector_load %swap3A_334[%swap3A_335] {strides = array<i32>} : memref<4096xf32, #tpu.memory_space<vmem>>, vector<16xf32>,
        tpu.vector_store %swap3A_334[%swap3A_335], %gather3A_317 {strides = array<i32>} : memref<4096xf32, #tpu.memory_space<vmem>>, vector<16xf32>,
        %swap3A_337 = arith.constant 0 : i32
        %swap3A_338 = tpu.memref_slice %arg7[%scan3A_169, %scan3A_170, %scan3A_171, %swap3A_337] : memref<2x1x1x4096xf32, #tpu.memory_space<vmem>> -> memref<1x1x1x4096xf32, #tpu.memory_space<vmem>>
        %swap3A_339 = tpu.memref_squeeze %swap3A_338 : memref<1x1x1x4096xf32, #tpu.memory_space<vmem>> -> memref<4096xf32, #tpu.memory_space<vmem>>
        %swap3A_340 = arith.index_cast %mul3A_252 : i32 to index
        %swap3A_341 = tpu.vector_load %swap3A_339[%swap3A_340] {strides = array<i32>} : memref<4096xf32, #tpu.memory_space<vmem>>, vector<16xf32>,
        tpu.vector_store %swap3A_339[%swap3A_340], %gather3A_318 {strides = array<i32>} : memref<4096xf32, #tpu.memory_space<vmem>>, vector<16xf32>,
        %swap3A_342 = arith.constant 0 : i32
        %swap3A_343 = tpu.memref_slice %arg7[%scan3A_169, %scan3A_170, %scan3A_171, %swap3A_342] : memref<2x1x1x4096xf32, #tpu.memory_space<vmem>> -> memref<1x1x1x4096xf32, #tpu.memory_space<vmem>>
        %swap3A_344 = tpu.memref_squeeze %swap3A_343 : memref<1x1x1x4096xf32, #tpu.memory_space<vmem>> -> memref<4096xf32, #tpu.memory_space<vmem>>
        %swap3A_345 = arith.index_cast %mul3A_258 : i32 to index
        %swap3A_346 = tpu.vector_load %swap3A_344[%swap3A_345] {strides = array<i32>} : memref<4096xf32, #tpu.memory_space<vmem>>, vector<16xf32>,
        tpu.vector_store %swap3A_344[%swap3A_345], %gather3A_319 {strides = array<i32>} : memref<4096xf32, #tpu.memory_space<vmem>>, vector<16xf32>,
        %swap3A_347 = arith.constant 0 : i32
        %swap3A_348 = tpu.memref_slice %arg7[%scan3A_169, %scan3A_170, %scan3A_171, %swap3A_347] : memref<2x1x1x4096xf32, #tpu.memory_space<vmem>> -> memref<1x1x1x4096xf32, #tpu.memory_space<vmem>>
        %swap3A_349 = tpu.memref_squeeze %swap3A_348 : memref<1x1x1x4096xf32, #tpu.memory_space<vmem>> -> memref<4096xf32, #tpu.memory_space<vmem>>
        %swap3A_350 = arith.index_cast %mul3A_264 : i32 to index
        %swap3A_351 = tpu.vector_load %swap3A_349[%swap3A_350] {strides = array<i32>} : memref<4096xf32, #tpu.memory_space<vmem>>, vector<16xf32>,
        tpu.vector_store %swap3A_349[%swap3A_350], %gather3A_320 {strides = array<i32>} : memref<4096xf32, #tpu.memory_space<vmem>>, vector<16xf32>,
        %swap3A_352 = arith.constant 0 : i32
        %swap3A_353 = tpu.memref_slice %arg7[%scan3A_169, %scan3A_170, %scan3A_171, %swap3A_352] : memref<2x1x1x4096xf32, #tpu.memory_space<vmem>> -> memref<1x1x1x4096xf32, #tpu.memory_space<vmem>>
        %swap3A_354 = tpu.memref_squeeze %swap3A_353 : memref<1x1x1x4096xf32, #tpu.memory_space<vmem>> -> memref<4096xf32, #tpu.memory_space<vmem>>
        %swap3A_355 = arith.index_cast %mul3A_270 : i32 to index
        %swap3A_356 = tpu.vector_load %swap3A_354[%swap3A_355] {strides = array<i32>} : memref<4096xf32, #tpu.memory_space<vmem>>, vector<16xf32>,
        tpu.vector_store %swap3A_354[%swap3A_355], %gather3A_321 {strides = array<i32>} : memref<4096xf32, #tpu.memory_space<vmem>>, vector<16xf32>,
        %swap3A_357 = arith.constant 0 : i32
        %swap3A_358 = tpu.memref_slice %arg7[%scan3A_169, %scan3A_170, %scan3A_171, %swap3A_357] : memref<2x1x1x4096xf32, #tpu.memory_space<vmem>> -> memref<1x1x1x4096xf32, #tpu.memory_space<vmem>>
        %swap3A_359 = tpu.memref_squeeze %swap3A_358 : memref<1x1x1x4096xf32, #tpu.memory_space<vmem>> -> memref<4096xf32, #tpu.memory_space<vmem>>
        %swap3A_360 = arith.index_cast %mul3A_276 : i32 to index
        %swap3A_361 = tpu.vector_load %swap3A_359[%swap3A_360] {strides = array<i32>} : memref<4096xf32, #tpu.memory_space<vmem>>, vector<16xf32>,
        tpu.vector_store %swap3A_359[%swap3A_360], %gather3A_322 {strides = array<i32>} : memref<4096xf32, #tpu.memory_space<vmem>>, vector<16xf32>,
      }
      %scan3A_176 = arith.constant 32 : i32
      %dma_start3A_177 = arith.constant 1 : i32
      %dma_start3A_178 = arith.constant 0 : i32
      %dma_start3A_179 = arith.constant 0 : i32
      %dma_start3A_180 = arith.constant 0 : i32
      %dma_start3A_181 = tpu.memref_slice %arg7[%dma_start3A_177, %dma_start3A_178, %dma_start3A_179, %dma_start3A_180] : memref<2x1x1x4096xf32, #tpu.memory_space<vmem>> -> memref<1x1x1x4096xf32, #tpu.memory_space<vmem>>
      %dma_start3A_182 = tpu.memref_squeeze %dma_start3A_181 : memref<1x1x1x4096xf32, #tpu.memory_space<vmem>> -> memref<1x1x4096xf32, #tpu.memory_space<vmem>>
      %dma_start3A_183 = arith.constant 49 : i32
      %dma_start3A_184 = arith.constant 0 : i32
      %dma_start3A_185 = tpu.memref_slice %arg4[%dma_start3A_183, %add3A_9, %dma_start3A_184] : memref<50x64x4096xf32, #tpu.memory_space<hbm>> -> memref<1x1x4096xf32, #tpu.memory_space<hbm>>
      %dma_start3A_186 = arith.constant 49 : i32
      %dma_start3A_187 = arith.constant 0 : i32
      %dma_start3A_188 = tpu.memref_slice %arg4[%dma_start3A_186, %add3A_9, %dma_start3A_187] : memref<50x64x4096xf32, #tpu.memory_space<hbm>> -> memref<1x1x4096xf32, #tpu.memory_space<hbm>>
      %dma_start3A_189 = arith.constant 0 : i32
      %dma_start3A_190 = arith.constant 0 : i32
      %dma_start3A_191 = arith.constant 0 : i32
      %dma_start3A_192 = tpu.memref_slice %arg7[%dma_start3A_177, %dma_start3A_189, %dma_start3A_190, %dma_start3A_191] : memref<2x1x1x4096xf32, #tpu.memory_space<vmem>> -> memref<1x1x1x4096xf32, #tpu.memory_space<vmem>>
      %dma_start3A_193 = tpu.memref_squeeze %dma_start3A_192 : memref<1x1x1x4096xf32, #tpu.memory_space<vmem>> -> memref<1x1x4096xf32, #tpu.memory_space<vmem>>
      tpu.enqueue_dma source(%dma_start3A_193 : memref<1x1x4096xf32, #tpu.memory_space<vmem>>) target(%dma_start3A_188 : memref<1x1x4096xf32, #tpu.memory_space<hbm>>) target_semaphore(%arg13 : memref<!tpu.dma_semaphore, #tpu.memory_space<semaphore_mem>>)
      %dma_wait3A_194 = arith.constant 0 : i32
      %dma_wait3A_195 = arith.constant 0 : i32
      %dma_wait3A_196 = arith.constant 0 : i32
      %dma_wait3A_197 = arith.constant 0 : i32
      %dma_wait3A_198 = tpu.memref_slice %arg7[%dma_wait3A_194, %dma_wait3A_195, %dma_wait3A_196, %dma_wait3A_197] : memref<2x1x1x4096xf32, #tpu.memory_space<vmem>> -> memref<1x1x1x4096xf32, #tpu.memory_space<vmem>>
      %dma_wait3A_199 = tpu.memref_squeeze %dma_wait3A_198 : memref<1x1x1x4096xf32, #tpu.memory_space<vmem>> -> memref<1x1x4096xf32, #tpu.memory_space<vmem>>
      %dma_wait3A_200 = arith.constant 48 : i32
      %dma_wait3A_201 = arith.constant 0 : i32
      %dma_wait3A_202 = tpu.memref_slice %arg4[%dma_wait3A_200, %add3A_9, %dma_wait3A_201] : memref<50x64x4096xf32, #tpu.memory_space<hbm>> -> memref<1x1x4096xf32, #tpu.memory_space<hbm>>
      %dma_wait3A_203 = arith.constant 48 : i32
      %dma_wait3A_204 = arith.constant 0 : i32
      %dma_wait3A_205 = tpu.memref_slice %arg4[%dma_wait3A_203, %add3A_9, %dma_wait3A_204] : memref<50x64x4096xf32, #tpu.memory_space<hbm>> -> memref<1x1x4096xf32, #tpu.memory_space<hbm>>
      %dma_wait3A_206 = arith.constant 0 : i32
      %dma_wait3A_207 = arith.constant 0 : i32
      %dma_wait3A_208 = arith.constant 0 : i32
      %dma_wait3A_209 = tpu.memref_slice %arg7[%dma_wait3A_194, %dma_wait3A_206, %dma_wait3A_207, %dma_wait3A_208] : memref<2x1x1x4096xf32, #tpu.memory_space<vmem>> -> memref<1x1x1x4096xf32, #tpu.memory_space<vmem>>
      %dma_wait3A_210 = tpu.memref_squeeze %dma_wait3A_209 : memref<1x1x1x4096xf32, #tpu.memory_space<vmem>> -> memref<1x1x4096xf32, #tpu.memory_space<vmem>>
      tpu.wait_dma2 semaphore(%arg12 : memref<!tpu.dma_semaphore, #tpu.memory_space<semaphore_mem>>) src(%dma_wait3A_210 : memref<1x1x4096xf32, #tpu.memory_space<vmem>>) dst(%dma_wait3A_205 : memref<1x1x4096xf32, #tpu.memory_space<hbm>>)
      %dma_wait3A_211 = arith.constant 1 : i32
      %dma_wait3A_212 = arith.constant 0 : i32
      %dma_wait3A_213 = arith.constant 0 : i32
      %dma_wait3A_214 = arith.constant 0 : i32
      %dma_wait3A_215 = tpu.memref_slice %arg7[%dma_wait3A_211, %dma_wait3A_212, %dma_wait3A_213, %dma_wait3A_214] : memref<2x1x1x4096xf32, #tpu.memory_space<vmem>> -> memref<1x1x1x4096xf32, #tpu.memory_space<vmem>>
      %dma_wait3A_216 = tpu.memref_squeeze %dma_wait3A_215 : memref<1x1x1x4096xf32, #tpu.memory_space<vmem>> -> memref<1x1x4096xf32, #tpu.memory_space<vmem>>
      %dma_wait3A_217 = arith.constant 49 : i32
      %dma_wait3A_218 = arith.constant 0 : i32
      %dma_wait3A_219 = tpu.memref_slice %arg4[%dma_wait3A_217, %add3A_9, %dma_wait3A_218] : memref<50x64x4096xf32, #tpu.memory_space<hbm>> -> memref<1x1x4096xf32, #tpu.memory_space<hbm>>
      %dma_wait3A_220 = arith.constant 49 : i32
      %dma_wait3A_221 = arith.constant 0 : i32
      %dma_wait3A_222 = tpu.memref_slice %arg4[%dma_wait3A_220, %add3A_9, %dma_wait3A_221] : memref<50x64x4096xf32, #tpu.memory_space<hbm>> -> memref<1x1x4096xf32, #tpu.memory_space<hbm>>
      %dma_wait3A_223 = arith.constant 0 : i32
      %dma_wait3A_224 = arith.constant 0 : i32
      %dma_wait3A_225 = arith.constant 0 : i32
      %dma_wait3A_226 = tpu.memref_slice %arg7[%dma_wait3A_211, %dma_wait3A_223, %dma_wait3A_224, %dma_wait3A_225] : memref<2x1x1x4096xf32, #tpu.memory_space<vmem>> -> memref<1x1x1x4096xf32, #tpu.memory_space<vmem>>
      %dma_wait3A_227 = tpu.memref_squeeze %dma_wait3A_226 : memref<1x1x1x4096xf32, #tpu.memory_space<vmem>> -> memref<1x1x4096xf32, #tpu.memory_space<vmem>>
      tpu.wait_dma2 semaphore(%arg13 : memref<!tpu.dma_semaphore, #tpu.memory_space<semaphore_mem>>) src(%dma_wait3A_227 : memref<1x1x4096xf32, #tpu.memory_space<vmem>>) dst(%dma_wait3A_222 : memref<1x1x4096xf32, #tpu.memory_space<hbm>>)
    }
    %scan3A_7 = arith.constant 2 : i32
    return
  }
}

</mosaic_0001>

<sc_bundles>
// kernel: kernel.3.cloned.1.call-start
scs
__scs_entry_jumppad:
0x0: {  	(pc) =	sbr.rel $0x88, $3  }
0x1: {  	(tag) =	ssettag $0x0;
	lr =	simm.s32 $0x1  }
0x2: {  	[smem:$0x3F9F] =	sst lr;
	_ =	strace $0xD0000000  }
0x3: {  	_ = 	snop  }
0x4: {  	_ = 	snop  }
0x5: {  	_ = 	snop  }
0x6: {  	_ = 	snop  }
0x7: {  	_ = 	snop  }
__scs_overlays_trampoline_lowered:
0x8: {  	[smem:$0x3FAE] =	sst s0  }
0x9: {  	[smem:$0x3FAF] =	sst s1  }
0xa: {  	[smem:$0x3FB0] =	sst s2  }
0xb: {  	[smem:$0x3FB1] =	sst s3  }
0xc: {  	[smem:$0x3FB2] =	sst s4  }
0xd: {  	[smem:$0x3FB3] =	sst s5  }
0xe: {  	[smem:$0x3FB4] =	sst s6  }
0xf: {  	[smem:$0x3FB5] =	sst s7  }
0x10: {  	[smem:$0x3FB6] =	sst s8  }
0x11: {  	[smem:$0x3FB7] =	sst s9;
	s0 =	simm.s32 @!p0 $0x0  }
0x12: {  	s1 =	sld [smem:$0x3F9D];
	s0 =	simm.s32 @p0 $0x1  }
0x13: {  	[smem:$0x3FB8] =	sst s0;
	s0 =	simm.s32 @!p1 $0x0  }
0x14: {  	s2 =	sld [smem:$0x3F9C];
	s0 =	simm.s32 @p1 $0x1  }
0x15: {  	[smem:$0x3FB9] =	sst s0;
	s0 =	simm.s32 @!p2 $0x0  }
0x16: {  	s3 =	sld [smem:$0x3FDB];
	s0 =	simm.s32 @p2 $0x1  }
0x17: {  	s4 =	simm.s32 $0x1BF5;
	[smem:$0x3FBB] =	sst s0  }
0x18: {  	s0 =	sld [smem:$0x3F9E];
	_ =	swait.ge [sflag:s4], $0x0  }
0x19: {  	s7 =	sld [smem:$0x3F9F]  }
0x1a: {  	s8 =	sadd.s32 $0xFFFFE003, lr  }
0x1b: {  	s9 =	sadd.s32 $0xFFFFFEF7, lr;
	s5 =	simm.s32 $0xFFFFFFFF;
	p2 =	slt.u32 s8, $0xFFFFF086  }
0x1c: {  	p1 =	slt.u32 s9, $0xF7A;
	s5 =	simm.s32 @!p2 $0x0  }
0x1d: {  	s5 =	simm.s32 @p1 $0x1;
	p0 =	seq.s32 s7, s2  }
0x1e: {  	s7 =	smul.u32 @!p0 $0xF7A, s2;
	p2 =	seq.s32 @!p0 s5, $0x0  }
0x1f: {  	s9 =	smul.u32 $0xF7A, s1;
	s8 =	simm.s32 @!p0 $0x1BF5;
	p2 =	por !p2, p0  }
0x20: {  	[sflag:s8] =	ssyncset.s32 @!p0 $0xFFFFF086;
	s6 =	sadd.s32 @!p0 s3, s7;
	s7 =	simm.s32 @!p0 $0x108  }
0x21: {  	s3 =	sadd.s32 s3, s9;
	s6 =	sadd.s32 @!p0 $0x88, s6;
	s7 =	simm.s32 @p2 $0x1082  }
0x22: {  	[simem:s7], [sflag:s8] =	dma.local @!p0 [hbm:s6], $0xF7A  }
0x23: {  	s9 =	sor.u32 $0xD0000000, s2;
	s6 =	simm.s32 $0x108;
	_ =	swait.ge @!p0 [sflag:s8], $0x0  }
0x24: {  	s3 =	sadd.s32 $0x88, s3;
	s6 =	simm.s32 @!p1 $0x1082;
	[sflag:s4] =	ssyncset.s32 $0xFFFFF086  }
0x25: {  	[simem:s6], [sflag:s4] =	dma.local [hbm:s3], $0xF7A  }
0x26: {  	[smem:$0x3F9F] =	sst s1;
	(tag) =	ssettag s2;
	_ =	strace s9  }
0x27: {  	s1 =	sld [smem:$0x3FAF]  }
0x28: {  	s2 =	sld [smem:$0x3FB0]  }
0x29: {  	s4 =	sld [smem:$0x3FB2]  }
0x2a: {  	p0 =	seq.s32 s5, $0x0;
	s5 =	sld [smem:$0x3FB3]  }
0x2b: {  	s6 =	sld [smem:$0x3FB4]  }
0x2c: {  	s7 =	sld [smem:$0x3FB5]  }
0x2d: {  	s3 =	simm.s32 $0x108;
	s8 =	sld [smem:$0x3FB6]  }
0x2e: {  	s3 =	simm.s32 @!p0 $0x1082;
	s9 =	sld [smem:$0x3FB7]  }
0x2f: {  	lr =	sadd.s32 s0, s3;
	s0 =	sld [smem:$0x3FAE]  }
0x30: {  	s3 =	sld [smem:$0x3FB1]  }
0x31: {  	[smem:$0x3FBA] =	sst s10  }
0x32: {  	s10 =	sld [smem:$0x3FB8];
	_ =	sdelay $0x3  }
0x33: {  	p0 =	seq.s32 s10, $0x1;
	s10 =	sld [smem:$0x3FBA];
	_ =	sdelay $0x3  }
0x34: {  	[smem:$0x3FBA] =	sst s10  }
0x35: {  	s10 =	sld [smem:$0x3FB9];
	_ =	sdelay $0x3  }
0x36: {  	p1 =	seq.s32 s10, $0x1;
	s10 =	sld [smem:$0x3FBA];
	_ =	sdelay $0x3  }
0x37: {  	[smem:$0x3FBA] =	sst s10  }
0x38: {  	s10 =	sld [smem:$0x3FBB]  }
0x39: {  	_ = 	snop;
	(pc) =	sbr.ind lr, $3  }
0x3a: {  	_ = 	snop  }
0x3b: {  	_ = 	snop  }
0x3c: {  	p2 =	seq.s32 s10, $0x1;
	s10 =	sld [smem:$0x3FBA]  }
0x3d: {  	_ =	shalt  }
0x3e: {  	_ =	shalt  }
0x3f: {  	_ =	shalt  }
0x40: {  	_ =	shalt  }
0x41: {  	_ =	shalt  }
0x42: {  	_ =	shalt  }
0x43: {  	_ =	shalt  }
0x44: {  	_ =	shalt  }
0x45: {  	_ =	shalt  }
0x46: {  	_ =	shalt  }
0x47: {  	_ =	shalt  }
0x48: {  	_ =	shalt  }
0x49: {  	_ =	shalt  }
0x4a: {  	_ =	shalt  }
0x4b: {  	_ =	shalt  }
0x4c: {  	_ =	shalt  }
0x4d: {  	_ =	shalt  }
0x4e: {  	_ =	shalt  }
0x4f: {  	_ =	shalt  }
0x50: {  	_ =	shalt  }
0x51: {  	_ =	shalt  }
0x52: {  	_ =	shalt  }
0x53: {  	_ =	shalt  }
0x54: {  	_ =	shalt  }
0x55: {  	_ =	shalt  }
0x56: {  	_ =	shalt  }
0x57: {  	_ =	shalt  }
0x58: {  	_ =	shalt  }
0x59: {  	_ =	shalt  }
0x5a: {  	_ =	shalt  }
0x5b: {  	_ =	shalt  }
0x5c: {  	_ =	shalt  }
0x5d: {  	_ =	shalt  }
0x5e: {  	_ =	shalt  }
0x5f: {  	_ =	shalt  }
0x60: {  	_ =	shalt  }
0x61: {  	_ =	shalt  }
0x62: {  	_ =	shalt  }
0x63: {  	_ =	shalt  }
0x64: {  	_ =	shalt  }
0x65: {  	_ =	shalt  }
0x66: {  	_ =	shalt  }
0x67: {  	_ =	shalt  }
0x68: {  	_ =	shalt  }
0x69: {  	_ =	shalt  }
0x6a: {  	_ =	shalt  }
0x6b: {  	_ =	shalt  }
0x6c: {  	_ =	shalt  }
0x6d: {  	_ =	shalt  }
0x6e: {  	_ =	shalt  }
0x6f: {  	_ =	shalt  }
0x70: {  	_ =	shalt  }
0x71: {  	_ =	shalt  }
0x72: {  	_ =	shalt  }
0x73: {  	_ =	shalt  }
0x74: {  	_ =	shalt  }
0x75: {  	_ =	shalt  }
0x76: {  	_ =	shalt  }
0x77: {  	_ =	shalt  }
0x78: {  	_ =	shalt  }
0x79: {  	_ =	shalt  }
0x7a: {  	_ =	shalt  }
0x7b: {  	_ =	shalt  }
0x7c: {  	_ =	shalt  }
0x7d: {  	_ =	shalt  }
0x7e: {  	_ =	shalt  }
0x7f: {  	_ =	shalt  }
0x80: {  	_ =	shalt  }
0x81: {  	_ =	shalt  }
0x82: {  	_ =	shalt  }
0x83: {  	_ =	shalt  }
0x84: {  	_ =	shalt  }
0x85: {  	_ =	shalt  }
0x86: {  	_ =	shalt  }
0x87: {  	_ =	shalt  }
.Lfunc_end0:
.L_simem_size_0:
called_computation_lowered:
.L_overlay_start_0:
0x88: {  	s2 =	sld [smem:$0x3FD9]  }
0x89: {  	s3 =	sld [smem:$0x3FFE];
	_ =	sdelay $0x1  }
0x8a: {  	s1 =	srdreg.scid  }
0x8b: {  	s0 =	sand.u32 $0x1, s1  }
0x8c: {  	s18 =	sshll.u32 s0, $0xA;
	s2 =	sadd.s32 s3, s2  }
0x8d: {  	s2 =	sadd.s32 s2, s18  }
0x8e: {  	[smem:$0x3FC6] =	sst s2  }
0x8f: {  	_ = 	snop  }
0x90: {  	s2 =	sld [smem:$0x3FC9]  }
0x91: {  	s19 =	sld [smem:$0x3FC8]  }
0x92: {  	s4 =	sld [smem:$0x3FD0];
	(tm) =	ssettm $0x1  }
0x93: {  	s5 =	sld [smem:$0x3FFB];
	_ =	sdelay $0x3  }
0x94: {  	_ =	strace s5  }
0x95: {  	s5 =	sld [smem:$0x3FFC];
	_ =	sdelay $0x3  }
0x96: {  	_ =	strace s5  }
0x97: {  	s5 =	sld [smem:$0x3FFD];
	_ =	sdelay $0x3  }
0x98: {  	_ =	strace s5  }
0x99: {  	_ =	strace $0x8FFFFFFF  }
0x9a: {  	s20 =	sld [smem:$0x3FDB];
	_ =	sdelay $0x1  }
0x9b: {  	s6 =	simm.s32 $_scs_section_size  }
0x9c: {  	s7 =	simm.s32 $_size__tile_overlayer_lowered;
	s8 =	simm.s32 $_tile_overlayer_lowered  }
0x9d: {  	s23 =	simm.s32 $0x1BFF;
	s22 =	sshll.u32 s8, $0x1;
	s5 =	sadd.s32 s6, s20  }
0x9e: {  	s9 =	simm.s32 $0x0;
	s21 =	sshll.u32 s7, $0x1;
	s7 =	sadd.s32 s22, s5  }
0x9f: {  	[timem:s9], [sflag:s23] =	dma.local [hbm:s7], s21  }
0xa0: {  	_ =	swait.ge [sflag:s23], s21  }
0xa1: {  	s6 =	ssub.s32 $0x0, s21;
	[sflag:s23] =	ssyncset.done $0x0  }
0xa2: {  	[sflag:s23] =	ssyncadd.s32 s6;
	_ =	sdelay $0x1  }
0xa3: {  	s24 =	simm.s32 $0x1B8B  }
0xa4: {  	_ =	swait.ge [sflag:s24], $0x1  }
0xa5: {  	[sflag:s24] =	ssyncset.done $0x0  }
0xa6: {  	s25 =	simm.s32 $0x1B8E;
	[sflag:s24] =	ssyncadd.s32 $0xFFFFFFFF  }
0xa7: {  	s26 =	simm.s32 $execute0_lowered;
	[smem:$0x3FD2] =	sst s25  }
0xa8: {  	s6 =	sshll.u32 s26, $0x1;
	_ =	strace $0x80000046;
	[dreg:$0x1] =	wrdreg $0xFFFFFFFF  }
0xa9: {  	s28 =	simm.s32 $_size_execute0_lowered;
	s5 =	sadd.s32 s5, s6;
	[dreg:$0x0] =	wrdreg $0x0  }
0xaa: {  	s6 =	sshll.u32 s28, $0x1;
	[dreg:$0x2] =	wrdreg s5  }
0xab: {  	[dreg:$0x3] =	wrdreg s6  }
0xac: {  	[dreg:$0x4] =	wrdreg $0xC0  }
0xad: {  	_ =	task [dreg:s9], $0x5FFFF  }
0xae: {  	[dreg:$0x1] =	wrdreg $0xFFFFFFFF  }
0xaf: {  	[dreg:$0x0] =	wrdreg $0x60  }
0xb0: {  	[dreg:$0x2] =	wrdreg s2  }
0xb1: {  	[dreg:$0x3] =	wrdreg s19  }
0xb2: {  	[dreg:$0x4] =	wrdreg s4  }
0xb3: {  	[dreg:$0x5] =	wrdreg $0x9  }
0xb4: {  	_ =	task.clear_ibuf [dreg:s9], $0x6FFFF;
	_ =	strace $0x90000046  }
0xb5: {  	s29 =	simm.s32 $0x9;
	_ =	strace $0x80000048  }
0xb6: {  	_ =	swait.ge [sflag:s29], $0x1  }
0xb7: {  	[sflag:s29] =	ssyncadd.s32 $0xFFFFFFFF  }
0xb8: {  	_ =	strace $0x90000048  }
0xb9: {  	_ =	sfence  }
0xba: {  	s30 =	sld [smem:$0x0];
	_ =	sdelay $0x2  }
0xbb: {  	s31 =	sshll.u32 s1, $0xD;
	s1 =	sshrl.u32 s1, $0x2  }
0xbc: {  	s3 =	sand.u32 $0x4000, s31;
	s1 =	sadd.s32 s1, s30  }
0xbd: {  	s0 =	sor.u32 s3, s0;
	s1 =	sshll.u32 s1, $0x11  }
0xbe: {  	s0 =	sor.u32 s1, s0  }
0xbf: {  	s0 =	sadd.s32 $0x8F2B, s0  }
0xc0: {  	[sflag:s0] =	ssyncadd.remote.s32 $0x1  }
0xc1: {  	_ =	sfence.sel $0xFFFF  }
0xc2: {  	[dreg:$0x0] =	wrdreg $0xFFFFFFFF;
	(pc) =	sbr.abs _section_cstart, $3  }
0xc3: {  	[dreg:$0x1] =	wrdreg $0xFFFFFFFF  }
0xc4: {  	_ =	task.clear_ibuf [dreg:s9], $0x2FFFF;
	_ =	strace $0x9FFFFFFF  }
0xc5: {  	(tm) =	ssettm $0x7FFFFFFF  }
tec
execute0_lowered:
.L_overlay_start_1:
0x0: {  	(tag) =	ssettag $0x1  }
0x1: {  	s1 =	rddreg [dreg:$0x0]  }
0x2: {  	s3 =	rddreg [dreg:$0x2];
	s0 =	srdreg.scid  }
0x3: {  	s4 =	simm.s32 $0x0;
	s6 =	stileid.u32;
	s18 =	simm.s32 $0x80  }
0x4: {  	s19 =	simm.s32 $0x400;
	s20 =	simm.s32 $0x7;
	s21 =	simm.s32 $0x18700  }
0x5: {  	s22 =	simm.s32 $0x19700;
	s28 =	simm.s32 $0x2;
	s29 =	simm.s32 $0x1D700  }
0x6: {  	s30 =	simm.s32 $0x3;
	s31 =	simm.s32 $0x5;
	s0 =	sand.u32 $0x1, s0  }
0x7: {  	[smem:$0x7FF] =	sst s4;
	s23 =	sshll.u32 s6, $0x9;
	s6 =	sshrl.u32 s6, $0x1  }
0x8: {  	s24 =	sadd.s32 $0x10, s1;
	s25 =	sadd.s32 $0x20, s1;
	s26 =	sadd.s32 $0x30, s1  }
0x9: {  	s11 =	sadd.s32 $0x8000, s3;
	s12 =	sadd.s32 $0x10000, s3;
	s13 =	sadd.s32 $0x18000, s3  }
0xa: {  	s14 =	sadd.s32 $0x180000, s3;
	_ =	strace $0x80000047;
	[dreg:$0x5] =	wrdreg s24  }
0xb: {  	s15 =	sadd.s32 $0x188000, s3;
	s2 =	ssub.s32 $0x2, s0;
	[dreg:$0x6] =	wrdreg s25  }
0xc: {  	s0 =	sshll.u32 s0, $0x8;
	s7 =	smul.u32 $0xC3800, s6;
	[dreg:$0x7] =	wrdreg s26  }
0xd: {  	s6 =	sshll.u32 s6, $0xF;
	s24 =	simm.s32 $0x1B700;
	s25 =	simm.s32 $0x1  }
0xe: {  	s26 =	simm.s32 $0x1C700;
	s5 =	sshrl.u32 s2, $0x1;
	[dreg:$0x8] =	wrdreg s6  }
0xf: {  	s6 =	simm.s32 $0x0;
	s2 =	ssub.s32 s2, s5;
	s5 =	sand.u32 $0x200, s23  }
0x10: {  	[dreg:$0x4] =	wrdreg s7;
	s2 =	smax.u32 s2, $0x1;
	s17 =	sor.u32 s0, s5  }
0x11: {  	s0 =	simm.s32 $0x4;
	s5 =	simm.s32 $0x6;
	[dreg:$0x9] =	wrdreg s2  }
.LBB2_1:
0x12: {  	[dreg:$0xa] =	wrdreg s6;
	p1 =	por $0x1, $0x1;
	s2 =	simm.s32 $0x0  }
.LBB2_2:
0x13: {  	s6 =	sor.u32 s17, s2;
	s8 =	rddreg [dreg:$0x4]  }
0x14: {  	s2 =	sor.u32 s8, s6  }
0x15: {  	s7 =	rddreg [dreg:$0x1];
	s2 =	sshrl.u32 s2, $0x3  }
0x16: {  	s7 =	sadd.s32 s7, s2;
	s2 =	simm.s32 $0x0  }
0x17: {  	[tilespmem:s2], [sflag:$0x7] =	stream.strided.gather [hbm4b:s7+s18], $0x18700, s19, s18, $0x38;
	[tilespmem:$0x1E700] =	vst v63  }
0x18: {  	_ =	swait.ge [sflag:s20], $0x18700  }
0x19: {  	[sflag:s20] =	ssyncset.done $0x0  }
0x1a: {  	s9 =	rddreg [dreg:$0x5];
	[sflag:s20] =	ssyncadd.s32 $0xFFFE7900  }
0x1b: {  	[tilespmem:s21], [sflag:$0x1] =	stream.strided.gather [hbm4b:s1+s18], $0x1000, s19, s18, $0x38;
	[tilespmem:$0x1E700] =	vst v63  }
0x1c: {  	s10 =	rddreg [dreg:$0x6]  }
0x1d: {  	[tilespmem:s22], [sflag:$0x2] =	stream.strided.gather [hbm4b:s9+s18], $0x1000, s19, s18, $0x38;
	[tilespmem:$0x1E700] =	vst v63  }
0x1e: {  	s8 =	simm.s32 $0x1A700;
	s16 =	rddreg [dreg:$0x7]  }
0x1f: {  	[tilespmem:s8], [sflag:$0x3] =	stream.strided.gather [hbm4b:s10+s18], $0x1000, s19, s18, $0x38;
	[tilespmem:$0x1E700] =	vst v63  }
0x20: {  	s23 =	rddreg [dreg:$0x8]  }
0x21: {  	[tilespmem:s24], [sflag:$0x4] =	stream.strided.gather [hbm4b:s16+s18], $0x1000, s19, s18, $0x38;
	[tilespmem:$0x1E700] =	vst v63  }
0x22: {  	p0 =	por p1, p1;
	s16 =	sor.u32 s23, s6  }
.LBB2_3:
0x23: {  	_ =	swait.ge [sflag:s25], $0x1000  }
0x24: {  	p1 =	seq.s32 s2, $0x0;
	[sflag:s25] =	ssyncset.done $0x0  }
0x25: {  	s6 =	simm.s32 @!p1 $0x5;
	[sflag:s25] =	ssyncadd.s32 $0xFFFFF000  }
0x26: {  	_ =	swait.ge @!p1 [sflag:s6], $0x1000  }
0x27: {  	[sflag:s6] =	ssyncset.done @!p1 $0x0  }
0x28: {  	[sflag:s6] =	ssyncadd.s32 @!p1 $0xFFFFF000;
	s6 =	simm.s32 $0x0  }
0x29: {  	v0 =	vld [tilespmem:s6+$0x18700]  }
0x2a: {  	v1 =	vld [tilespmem:s6+$0x18770]  }
0x2b: {  	v2 =	vld [tilespmem:s6+$0x18710]  }
0x2c: {  	v3 =	vld [tilespmem:s6+$0x18720]  }
0x2d: {  	v4 =	vld [tilespmem:s6+$0x18730]  }
0x2e: {  	v7 =	vld [tilespmem:s6+$0x18740]  }
0x2f: {  	v8 =	vld [tilespmem:s6+$0x18750]  }
0x30: {  	v9 =	vld [tilespmem:s6+$0x18760]  }
0x31: {  	v10 =	vld.idx.msk [tilespmem:v0+s4+$0x0], $0xffff  }
0x32: {  	v0 =	vld.idx.msk [tilespmem:v1+s4+$0x0], $0xffff  }
0x33: {  	v6 =	vld.idx.msk [tilespmem:v2+s4+$0x0], $0xffff  }
0x34: {  	v5 =	vld.idx.msk [tilespmem:v3+s4+$0x0], $0xffff  }
0x35: {  	v4 =	vld.idx.msk [tilespmem:v4+s4+$0x0], $0xffff  }
0x36: {  	v3 =	vld.idx.msk [tilespmem:v7+s4+$0x0], $0xffff  }
0x37: {  	v2 =	vld.idx.msk [tilespmem:v8+s4+$0x0], $0xffff  }
0x38: {  	s7 =	simm.s32 $0x80;
	v1 =	vld.idx.msk [tilespmem:v9+s4+$0x0], $0xffff;
	[tilespmem:s6+$0x1C770] =	vst v0  }
0x39: {  	s23 =	sshll.u32 s2, $0x2;
	s8 =	simm.s32 $0x400;
	v0 =	vld [tilespmem:s7+$0x18700];
	[tilespmem:s6+$0x1C700] =	vst v10  }
.LBB2_4:
0x3a: {  	p2 =	sne.s32 s8, $0x3E00;
	v7 =	vld [tilespmem:s7+$0x18770];
	[tilespmem:s6+$0x1C710] =	vst v6  }
0x3b: {  	v6 =	vld [tilespmem:s7+$0x18710];
	[tilespmem:s6+$0x1C720] =	vst v5  }
0x3c: {  	v5 =	vld [tilespmem:s7+$0x18720];
	[tilespmem:s6+$0x1C730] =	vst v4  }
0x3d: {  	v4 =	vld [tilespmem:s7+$0x18730];
	[tilespmem:s6+$0x1C740] =	vst v3  }
0x3e: {  	v3 =	vld [tilespmem:s7+$0x18740];
	[tilespmem:s6+$0x1C750] =	vst v2  }
0x3f: {  	v2 =	vld [tilespmem:s7+$0x18750];
	[tilespmem:s6+$0x1C760] =	vst v1;
	s6 =	smov.u32 s7  }
0x40: {  	v1 =	vld [tilespmem:s6+$0x18760]  }
0x41: {  	v8 =	vld.idx.msk [tilespmem:v0+s4+$0x0], $0xffff  }
0x42: {  	v0 =	vld.idx.msk [tilespmem:v7+s4+$0x0], $0xffff  }
0x43: {  	v6 =	vld.idx.msk [tilespmem:v6+s4+$0x0], $0xffff  }
0x44: {  	v5 =	vld.idx.msk [tilespmem:v5+s4+$0x0], $0xffff  }
.Ltmp0:
0x45: {  	v4 =	vld.idx.msk [tilespmem:v4+s4+$0x0], $0xffff;
	(pc) =	sbr.rel @p2 .LBB2_4-.Ltmp0, $4  }
0x46: {  	v3 =	vld.idx.msk [tilespmem:v3+s4+$0x0], $0xffff  }
0x47: {  	v2 =	vld.idx.msk [tilespmem:v2+s4+$0x0], $0xffff  }
0x48: {  	s7 =	sshra.s32 s8, $0x2;
	v1 =	vld.idx.msk [tilespmem:v1+s4+$0x0], $0xffff;
	[tilespmem:s6+$0x1C770] =	vst v0  }
0x49: {  	s8 =	sadd.s32 $0x200, s8;
	v0 =	vld [tilespmem:s7+$0x18700];
	[tilespmem:s6+$0x1C700] =	vst v8  }
0x4a: {  	_ = 	snop  }
0x4b: {  	v7 =	vld [tilespmem:s7+$0x18770];
	[tilespmem:s6+$0x1C710] =	vst v6  }
0x4c: {  	v6 =	vld [tilespmem:s7+$0x18710];
	[tilespmem:s6+$0x1C720] =	vst v5  }
0x4d: {  	v5 =	vld [tilespmem:s7+$0x18720];
	[tilespmem:s6+$0x1C730] =	vst v4  }
0x4e: {  	v4 =	vld [tilespmem:s7+$0x18730];
	[tilespmem:s6+$0x1C740] =	vst v3  }
0x4f: {  	v3 =	vld [tilespmem:s7+$0x18740];
	[tilespmem:s6+$0x1C750] =	vst v2  }
0x50: {  	v2 =	vld [tilespmem:s7+$0x18750];
	[tilespmem:s6+$0x1C760] =	vst v1  }
0x51: {  	v1 =	vld [tilespmem:s7+$0x18760]  }
0x52: {  	v0 =	vld.idx.msk [tilespmem:v0+s4+$0x0], $0xffff  }
0x53: {  	v7 =	vld.idx.msk [tilespmem:v7+s4+$0x0], $0xffff  }
0x54: {  	v6 =	vld.idx.msk [tilespmem:v6+s4+$0x0], $0xffff  }
0x55: {  	v5 =	vld.idx.msk [tilespmem:v5+s4+$0x0], $0xffff  }
0x56: {  	v4 =	vld.idx.msk [tilespmem:v4+s4+$0x0], $0xffff  }
0x57: {  	v3 =	vld.idx.msk [tilespmem:v3+s4+$0x0], $0xffff  }
0x58: {  	v2 =	vld.idx.msk [tilespmem:v2+s4+$0x0], $0xffff  }
0x59: {  	v1 =	vld.idx.msk [tilespmem:v1+s4+$0x0], $0xffff;
	[tilespmem:s7+$0x1C770] =	vst v7  }
0x5a: {  	[tilespmem:s7+$0x1C700] =	vst v0  }
0x5b: {  	[tilespmem:s7+$0x1C710] =	vst v6  }
0x5c: {  	[tilespmem:s7+$0x1C720] =	vst v5  }
0x5d: {  	s8 =	sshll.u32 s2, $0x14;
	[tilespmem:s7+$0x1C730] =	vst v4  }
0x5e: {  	s10 =	sadd.s32 $0x4, s23;
	s6 =	sor.u32 s16, s8;
	[tilespmem:s7+$0x1C740] =	vst v3  }
0x5f: {  	s8 =	sshll.u32 s10, $0x4;
	s6 =	sshrl.u32 s6, $0x3;
	[tilespmem:s7+$0x1C750] =	vst v2  }
0x60: {  	s8 =	sand.u32 $0x40, s8;
	s9 =	sadd.s32 s3, s6;
	[tilespmem:s7+$0x1C760] =	vst v1;
	s7 =	sshll.u32 s10, $0x9  }
0x61: {  	[hbm4b:s9+s18] =	stream.strided.scatter [tilespmem:s26], [sflag:$0x5], $0x1000, s19, s18, $0x38;
	[tilespmem:$0x1E700] =	vst v63  }
0x62: {  	s8 =	sadd.s32 s1, s8;
	s7 =	sand.u32 $0xF000, s7  }
0x63: {  	s7 =	sadd.s32 s7, s8  }
0x64: {  	[tilespmem:s21], [sflag:$0x1] =	stream.strided.gather [hbm4b:s7+s18], $0x1000, s19, s18, $0x38;
	[tilespmem:$0x1E700] =	vst v63  }
0x65: {  	_ =	swait.ge [sflag:s28], $0x1000  }
0x66: {  	[sflag:s28] =	ssyncset.done $0x0  }
0x67: {  	s7 =	simm.s32 @!p1 $0x6;
	[sflag:s28] =	ssyncadd.s32 $0xFFFFF000  }
0x68: {  	_ =	swait.ge @!p1 [sflag:s7], $0x1000  }
0x69: {  	[sflag:s7] =	ssyncset.done @!p1 $0x0  }
0x6a: {  	[sflag:s7] =	ssyncadd.s32 @!p1 $0xFFFFF000;
	s7 =	simm.s32 $0x0  }
0x6b: {  	v0 =	vld [tilespmem:s7+$0x19700]  }
0x6c: {  	v1 =	vld [tilespmem:s7+$0x19770]  }
0x6d: {  	v2 =	vld [tilespmem:s7+$0x19710]  }
0x6e: {  	v3 =	vld [tilespmem:s7+$0x19720]  }
0x6f: {  	v4 =	vld [tilespmem:s7+$0x19730]  }
0x70: {  	v7 =	vld [tilespmem:s7+$0x19740]  }
0x71: {  	v8 =	vld [tilespmem:s7+$0x19750]  }
0x72: {  	v9 =	vld [tilespmem:s7+$0x19760]  }
0x73: {  	v10 =	vld.idx.msk [tilespmem:v0+s4+$0x0], $0xffff  }
0x74: {  	v0 =	vld.idx.msk [tilespmem:v1+s4+$0x0], $0xffff  }
0x75: {  	v6 =	vld.idx.msk [tilespmem:v2+s4+$0x0], $0xffff  }
0x76: {  	v5 =	vld.idx.msk [tilespmem:v3+s4+$0x0], $0xffff  }
0x77: {  	v4 =	vld.idx.msk [tilespmem:v4+s4+$0x0], $0xffff  }
0x78: {  	v3 =	vld.idx.msk [tilespmem:v7+s4+$0x0], $0xffff  }
0x79: {  	v2 =	vld.idx.msk [tilespmem:v8+s4+$0x0], $0xffff  }
0x7a: {  	s8 =	simm.s32 $0x80;
	v1 =	vld.idx.msk [tilespmem:v9+s4+$0x0], $0xffff;
	[tilespmem:s7+$0x1D770] =	vst v0  }
0x7b: {  	s9 =	simm.s32 $0x400;
	v0 =	vld [tilespmem:s8+$0x19700];
	[tilespmem:s7+$0x1D700] =	vst v10  }
.LBB2_6:
0x7c: {  	p1 =	sne.s32 s9, $0x3E00;
	v7 =	vld [tilespmem:s8+$0x19770];
	[tilespmem:s7+$0x1D710] =	vst v6  }
0x7d: {  	v6 =	vld [tilespmem:s8+$0x19710];
	[tilespmem:s7+$0x1D720] =	vst v5  }
0x7e: {  	v5 =	vld [tilespmem:s8+$0x19720];
	[tilespmem:s7+$0x1D730] =	vst v4  }
0x7f: {  	v4 =	vld [tilespmem:s8+$0x19730];
	[tilespmem:s7+$0x1D740] =	vst v3  }
0x80: {  	v3 =	vld [tilespmem:s8+$0x19740];
	[tilespmem:s7+$0x1D750] =	vst v2  }
0x81: {  	v2 =	vld [tilespmem:s8+$0x19750];
	[tilespmem:s7+$0x1D760] =	vst v1;
	s7 =	smov.u32 s8  }
0x82: {  	v1 =	vld [tilespmem:s7+$0x19760]  }
0x83: {  	v8 =	vld.idx.msk [tilespmem:v0+s4+$0x0], $0xffff  }
0x84: {  	v0 =	vld.idx.msk [tilespmem:v7+s4+$0x0], $0xffff  }
0x85: {  	v6 =	vld.idx.msk [tilespmem:v6+s4+$0x0], $0xffff  }
0x86: {  	v5 =	vld.idx.msk [tilespmem:v5+s4+$0x0], $0xffff  }
.Ltmp1:
0x87: {  	v4 =	vld.idx.msk [tilespmem:v4+s4+$0x0], $0xffff;
	(pc) =	sbr.rel @p1 .LBB2_6-.Ltmp1, $4  }
0x88: {  	v3 =	vld.idx.msk [tilespmem:v3+s4+$0x0], $0xffff  }
0x89: {  	v2 =	vld.idx.msk [tilespmem:v2+s4+$0x0], $0xffff  }
0x8a: {  	s8 =	sshra.s32 s9, $0x2;
	v1 =	vld.idx.msk [tilespmem:v1+s4+$0x0], $0xffff;
	[tilespmem:s7+$0x1D770] =	vst v0  }
0x8b: {  	s9 =	sadd.s32 $0x200, s9;
	v0 =	vld [tilespmem:s8+$0x19700];
	[tilespmem:s7+$0x1D700] =	vst v8  }
0x8c: {  	_ = 	snop  }
0x8d: {  	v7 =	vld [tilespmem:s8+$0x19770];
	[tilespmem:s7+$0x1D710] =	vst v6  }
0x8e: {  	v6 =	vld [tilespmem:s8+$0x19710];
	[tilespmem:s7+$0x1D720] =	vst v5  }
0x8f: {  	v5 =	vld [tilespmem:s8+$0x19720];
	[tilespmem:s7+$0x1D730] =	vst v4  }
0x90: {  	v4 =	vld [tilespmem:s8+$0x19730];
	[tilespmem:s7+$0x1D740] =	vst v3  }
0x91: {  	v3 =	vld [tilespmem:s8+$0x19740];
	[tilespmem:s7+$0x1D750] =	vst v2  }
0x92: {  	v2 =	vld [tilespmem:s8+$0x19750];
	[tilespmem:s7+$0x1D760] =	vst v1  }
0x93: {  	v1 =	vld [tilespmem:s8+$0x19760]  }
0x94: {  	v0 =	vld.idx.msk [tilespmem:v0+s4+$0x0], $0xffff  }
0x95: {  	v7 =	vld.idx.msk [tilespmem:v7+s4+$0x0], $0xffff  }
0x96: {  	v6 =	vld.idx.msk [tilespmem:v6+s4+$0x0], $0xffff  }
0x97: {  	v5 =	vld.idx.msk [tilespmem:v5+s4+$0x0], $0xffff  }
0x98: {  	v4 =	vld.idx.msk [tilespmem:v4+s4+$0x0], $0xffff  }
0x99: {  	v3 =	vld.idx.msk [tilespmem:v3+s4+$0x0], $0xffff  }
0x9a: {  	v2 =	vld.idx.msk [tilespmem:v2+s4+$0x0], $0xffff  }
0x9b: {  	v1 =	vld.idx.msk [tilespmem:v1+s4+$0x0], $0xffff;
	[tilespmem:s8+$0x1D770] =	vst v7  }
0x9c: {  	[tilespmem:s8+$0x1D700] =	vst v0  }
0x9d: {  	[tilespmem:s8+$0x1D710] =	vst v6  }
0x9e: {  	[tilespmem:s8+$0x1D720] =	vst v5  }
0x9f: {  	[tilespmem:s8+$0x1D730] =	vst v4  }
0xa0: {  	[tilespmem:s8+$0x1D740] =	vst v3  }
0xa1: {  	s9 =	sadd.s32 $0x5, s23;
	[tilespmem:s8+$0x1D750] =	vst v2  }
0xa2: {  	s10 =	sshll.u32 s9, $0x4;
	[tilespmem:s8+$0x1D760] =	vst v1;
	s8 =	sadd.s32 s6, s11  }
0xa3: {  	[hbm4b:s8+s18] =	stream.strided.scatter [tilespmem:s29], [sflag:$0x6], $0x1000, s19, s18, $0x38;
	[tilespmem:$0x1E700] =	vst v63  }
0xa4: {  	s7 =	sshll.u32 s9, $0x9;
	s8 =	sand.u32 $0x50, s10  }
0xa5: {  	s7 =	sand.u32 $0xF000, s7;
	s8 =	sadd.s32 s1, s8  }
0xa6: {  	s7 =	sadd.s32 s7, s8  }
0xa7: {  	[tilespmem:s22], [sflag:$0x2] =	stream.strided.gather [hbm4b:s7+s18], $0x1000, s19, s18, $0x38;
	[tilespmem:$0x1E700] =	vst v63  }
0xa8: {  	_ =	swait.ge [sflag:s30], $0x1000  }
0xa9: {  	[sflag:s30] =	ssyncset.done $0x0  }
0xaa: {  	[sflag:s30] =	ssyncadd.s32 $0xFFFFF000  }
0xab: {  	_ =	swait.ge [sflag:s31], $0x1000  }
0xac: {  	[sflag:s31] =	ssyncset.done $0x0  }
0xad: {  	s7 =	simm.s32 $0x0;
	[sflag:s31] =	ssyncadd.s32 $0xFFFFF000  }
0xae: {  	v0 =	vld [tilespmem:s7+$0x1A700]  }
0xaf: {  	v1 =	vld [tilespmem:s7+$0x1A770]  }
0xb0: {  	v2 =	vld [tilespmem:s7+$0x1A710]  }
0xb1: {  	v3 =	vld [tilespmem:s7+$0x1A720]  }
0xb2: {  	v4 =	vld [tilespmem:s7+$0x1A730]  }
0xb3: {  	v7 =	vld [tilespmem:s7+$0x1A740]  }
0xb4: {  	v8 =	vld [tilespmem:s7+$0x1A750]  }
0xb5: {  	v9 =	vld [tilespmem:s7+$0x1A760]  }
0xb6: {  	v10 =	vld.idx.msk [tilespmem:v0+s4+$0x0], $0xffff  }
0xb7: {  	v0 =	vld.idx.msk [tilespmem:v1+s4+$0x0], $0xffff  }
0xb8: {  	v6 =	vld.idx.msk [tilespmem:v2+s4+$0x0], $0xffff  }
0xb9: {  	v5 =	vld.idx.msk [tilespmem:v3+s4+$0x0], $0xffff  }
0xba: {  	v4 =	vld.idx.msk [tilespmem:v4+s4+$0x0], $0xffff  }
0xbb: {  	v3 =	vld.idx.msk [tilespmem:v7+s4+$0x0], $0xffff  }
0xbc: {  	v2 =	vld.idx.msk [tilespmem:v8+s4+$0x0], $0xffff  }
0xbd: {  	s8 =	simm.s32 $0x80;
	v1 =	vld.idx.msk [tilespmem:v9+s4+$0x0], $0xffff;
	[tilespmem:s7+$0x1C770] =	vst v0  }
0xbe: {  	s9 =	simm.s32 $0x400;
	v0 =	vld [tilespmem:s8+$0x1A700];
	[tilespmem:s7+$0x1C700] =	vst v10  }
.LBB2_8:
0xbf: {  	p1 =	sne.s32 s9, $0x3E00;
	v7 =	vld [tilespmem:s8+$0x1A770];
	[tilespmem:s7+$0x1C710] =	vst v6  }
0xc0: {  	v6 =	vld [tilespmem:s8+$0x1A710];
	[tilespmem:s7+$0x1C720] =	vst v5  }
0xc1: {  	v5 =	vld [tilespmem:s8+$0x1A720];
	[tilespmem:s7+$0x1C730] =	vst v4  }
0xc2: {  	v4 =	vld [tilespmem:s8+$0x1A730];
	[tilespmem:s7+$0x1C740] =	vst v3  }
0xc3: {  	v3 =	vld [tilespmem:s8+$0x1A740];
	[tilespmem:s7+$0x1C750] =	vst v2  }
0xc4: {  	v2 =	vld [tilespmem:s8+$0x1A750];
	[tilespmem:s7+$0x1C760] =	vst v1;
	s7 =	smov.u32 s8  }
0xc5: {  	v1 =	vld [tilespmem:s7+$0x1A760]  }
0xc6: {  	v8 =	vld.idx.msk [tilespmem:v0+s4+$0x0], $0xffff  }
0xc7: {  	v0 =	vld.idx.msk [tilespmem:v7+s4+$0x0], $0xffff  }
0xc8: {  	v6 =	vld.idx.msk [tilespmem:v6+s4+$0x0], $0xffff  }
0xc9: {  	v5 =	vld.idx.msk [tilespmem:v5+s4+$0x0], $0xffff  }
.Ltmp2:
0xca: {  	v4 =	vld.idx.msk [tilespmem:v4+s4+$0x0], $0xffff;
	(pc) =	sbr.rel @p1 .LBB2_8-.Ltmp2, $4  }
0xcb: {  	v3 =	vld.idx.msk [tilespmem:v3+s4+$0x0], $0xffff  }
0xcc: {  	v2 =	vld.idx.msk [tilespmem:v2+s4+$0x0], $0xffff  }
0xcd: {  	s8 =	sshra.s32 s9, $0x2;
	v1 =	vld.idx.msk [tilespmem:v1+s4+$0x0], $0xffff;
	[tilespmem:s7+$0x1C770] =	vst v0  }
0xce: {  	s9 =	sadd.s32 $0x200, s9;
	v0 =	vld [tilespmem:s8+$0x1A700];
	[tilespmem:s7+$0x1C700] =	vst v8  }
0xcf: {  	_ = 	snop  }
0xd0: {  	v7 =	vld [tilespmem:s8+$0x1A770];
	[tilespmem:s7+$0x1C710] =	vst v6  }
0xd1: {  	v6 =	vld [tilespmem:s8+$0x1A710];
	[tilespmem:s7+$0x1C720] =	vst v5  }
0xd2: {  	v5 =	vld [tilespmem:s8+$0x1A720];
	[tilespmem:s7+$0x1C730] =	vst v4  }
0xd3: {  	v4 =	vld [tilespmem:s8+$0x1A730];
	[tilespmem:s7+$0x1C740] =	vst v3  }
0xd4: {  	v3 =	vld [tilespmem:s8+$0x1A740];
	[tilespmem:s7+$0x1C750] =	vst v2  }
0xd5: {  	v2 =	vld [tilespmem:s8+$0x1A750];
	[tilespmem:s7+$0x1C760] =	vst v1  }
0xd6: {  	v1 =	vld [tilespmem:s8+$0x1A760]  }
0xd7: {  	v0 =	vld.idx.msk [tilespmem:v0+s4+$0x0], $0xffff  }
0xd8: {  	v7 =	vld.idx.msk [tilespmem:v7+s4+$0x0], $0xffff  }
0xd9: {  	v6 =	vld.idx.msk [tilespmem:v6+s4+$0x0], $0xffff  }
0xda: {  	v5 =	vld.idx.msk [tilespmem:v5+s4+$0x0], $0xffff  }
0xdb: {  	v4 =	vld.idx.msk [tilespmem:v4+s4+$0x0], $0xffff  }
0xdc: {  	v3 =	vld.idx.msk [tilespmem:v3+s4+$0x0], $0xffff  }
0xdd: {  	v2 =	vld.idx.msk [tilespmem:v2+s4+$0x0], $0xffff  }
0xde: {  	v1 =	vld.idx.msk [tilespmem:v1+s4+$0x0], $0xffff;
	[tilespmem:s8+$0x1C770] =	vst v7  }
0xdf: {  	[tilespmem:s8+$0x1C700] =	vst v0  }
0xe0: {  	[tilespmem:s8+$0x1C710] =	vst v6  }
0xe1: {  	[tilespmem:s8+$0x1C720] =	vst v5  }
0xe2: {  	[tilespmem:s8+$0x1C730] =	vst v4  }
0xe3: {  	p1 =	seq.s32 s2, $0xB;
	[tilespmem:s8+$0x1C740] =	vst v3  }
0xe4: {  	s7 =	sadd.s32 @!p1 $0x6, s23;
	[tilespmem:s8+$0x1C750] =	vst v2  }
0xe5: {  	s10 =	sadd.s32 s6, s12;
	[tilespmem:s8+$0x1C760] =	vst v1;
	s8 =	sshll.u32 @!p1 s7, $0x4  }
0xe6: {  	[hbm4b:s10+s18] =	stream.strided.scatter [tilespmem:s26], [sflag:$0x5], $0x1000, s19, s18, $0x38;
	[tilespmem:$0x1E700] =	vst v63  }
0xe7: {  	s7 =	sshll.u32 @!p1 s7, $0x9;
	s8 =	sand.u32 @!p1 $0x60, s8  }
0xe8: {  	s9 =	simm.s32 @!p1 $0x400;
	s7 =	sand.u32 @!p1 $0xF000, s7;
	s8 =	sadd.s32 @!p1 s1, s8  }
0xe9: {  	s10 =	simm.s32 @!p1 $0x1A700;
	s7 =	sadd.s32 @!p1 s7, s8;
	s8 =	simm.s32 @!p1 $0x80  }
0xea: {  	[tilespmem:s10], [sflag:$0x3] =	stream.strided.gather @!p1 [hbm4b:s7+s8], $0x1000, s9, s8, $0x38;
	[tilespmem:$0x1E700] =	vst v63  }
0xeb: {  	_ =	swait.ge [sflag:s0], $0x1000  }
0xec: {  	[sflag:s0] =	ssyncset.done $0x0  }
0xed: {  	[sflag:s0] =	ssyncadd.s32 $0xFFFFF000  }
0xee: {  	_ =	swait.ge [sflag:s5], $0x1000  }
0xef: {  	[sflag:s5] =	ssyncset.done $0x0  }
0xf0: {  	s7 =	simm.s32 $0x0;
	[sflag:s5] =	ssyncadd.s32 $0xFFFFF000  }
0xf1: {  	v0 =	vld [tilespmem:s7+$0x1B700]  }
0xf2: {  	v1 =	vld [tilespmem:s7+$0x1B770]  }
0xf3: {  	v2 =	vld [tilespmem:s7+$0x1B710]  }
0xf4: {  	v3 =	vld [tilespmem:s7+$0x1B720]  }
0xf5: {  	v4 =	vld [tilespmem:s7+$0x1B730]  }
0xf6: {  	v7 =	vld [tilespmem:s7+$0x1B740]  }
0xf7: {  	v8 =	vld [tilespmem:s7+$0x1B750]  }
0xf8: {  	v9 =	vld [tilespmem:s7+$0x1B760]  }
0xf9: {  	v10 =	vld.idx.msk [tilespmem:v0+s4+$0x0], $0xffff  }
0xfa: {  	v0 =	vld.idx.msk [tilespmem:v1+s4+$0x0], $0xffff  }
0xfb: {  	v6 =	vld.idx.msk [tilespmem:v2+s4+$0x0], $0xffff  }
0xfc: {  	v5 =	vld.idx.msk [tilespmem:v3+s4+$0x0], $0xffff  }
0xfd: {  	v4 =	vld.idx.msk [tilespmem:v4+s4+$0x0], $0xffff  }
0xfe: {  	v3 =	vld.idx.msk [tilespmem:v7+s4+$0x0], $0xffff  }
0xff: {  	v2 =	vld.idx.msk [tilespmem:v8+s4+$0x0], $0xffff  }
0x100: {  	s8 =	simm.s32 $0x80;
	v1 =	vld.idx.msk [tilespmem:v9+s4+$0x0], $0xffff;
	[tilespmem:s7+$0x1D770] =	vst v0  }
0x101: {  	s9 =	simm.s32 $0x400;
	v0 =	vld [tilespmem:s8+$0x1B700];
	[tilespmem:s7+$0x1D700] =	vst v10  }
.LBB2_10:
0x102: {  	p2 =	sne.s32 s9, $0x3E00;
	v7 =	vld [tilespmem:s8+$0x1B770];
	[tilespmem:s7+$0x1D710] =	vst v6  }
0x103: {  	v6 =	vld [tilespmem:s8+$0x1B710];
	[tilespmem:s7+$0x1D720] =	vst v5  }
0x104: {  	v5 =	vld [tilespmem:s8+$0x1B720];
	[tilespmem:s7+$0x1D730] =	vst v4  }
0x105: {  	v4 =	vld [tilespmem:s8+$0x1B730];
	[tilespmem:s7+$0x1D740] =	vst v3  }
0x106: {  	v3 =	vld [tilespmem:s8+$0x1B740];
	[tilespmem:s7+$0x1D750] =	vst v2  }
0x107: {  	v2 =	vld [tilespmem:s8+$0x1B750];
	[tilespmem:s7+$0x1D760] =	vst v1;
	s7 =	smov.u32 s8  }
0x108: {  	v1 =	vld [tilespmem:s7+$0x1B760]  }
0x109: {  	v8 =	vld.idx.msk [tilespmem:v0+s4+$0x0], $0xffff  }
0x10a: {  	v0 =	vld.idx.msk [tilespmem:v7+s4+$0x0], $0xffff  }
0x10b: {  	v6 =	vld.idx.msk [tilespmem:v6+s4+$0x0], $0xffff  }
0x10c: {  	v5 =	vld.idx.msk [tilespmem:v5+s4+$0x0], $0xffff  }
.Ltmp3:
0x10d: {  	v4 =	vld.idx.msk [tilespmem:v4+s4+$0x0], $0xffff;
	(pc) =	sbr.rel @p2 .LBB2_10-.Ltmp3, $4  }
0x10e: {  	v3 =	vld.idx.msk [tilespmem:v3+s4+$0x0], $0xffff  }
0x10f: {  	v2 =	vld.idx.msk [tilespmem:v2+s4+$0x0], $0xffff  }
0x110: {  	s8 =	sshra.s32 s9, $0x2;
	v1 =	vld.idx.msk [tilespmem:v1+s4+$0x0], $0xffff;
	[tilespmem:s7+$0x1D770] =	vst v0  }
0x111: {  	s9 =	sadd.s32 $0x200, s9;
	v0 =	vld [tilespmem:s8+$0x1B700];
	[tilespmem:s7+$0x1D700] =	vst v8  }
0x112: {  	_ = 	snop  }
0x113: {  	v7 =	vld [tilespmem:s8+$0x1B770];
	[tilespmem:s7+$0x1D710] =	vst v6  }
0x114: {  	v6 =	vld [tilespmem:s8+$0x1B710];
	[tilespmem:s7+$0x1D720] =	vst v5  }
0x115: {  	v5 =	vld [tilespmem:s8+$0x1B720];
	[tilespmem:s7+$0x1D730] =	vst v4  }
0x116: {  	v4 =	vld [tilespmem:s8+$0x1B730];
	[tilespmem:s7+$0x1D740] =	vst v3  }
0x117: {  	v3 =	vld [tilespmem:s8+$0x1B740];
	[tilespmem:s7+$0x1D750] =	vst v2  }
0x118: {  	v2 =	vld [tilespmem:s8+$0x1B750];
	[tilespmem:s7+$0x1D760] =	vst v1  }
0x119: {  	v1 =	vld [tilespmem:s8+$0x1B760]  }
0x11a: {  	v0 =	vld.idx.msk [tilespmem:v0+s4+$0x0], $0xffff  }
0x11b: {  	v7 =	vld.idx.msk [tilespmem:v7+s4+$0x0], $0xffff  }
0x11c: {  	v6 =	vld.idx.msk [tilespmem:v6+s4+$0x0], $0xffff  }
0x11d: {  	v5 =	vld.idx.msk [tilespmem:v5+s4+$0x0], $0xffff  }
0x11e: {  	v4 =	vld.idx.msk [tilespmem:v4+s4+$0x0], $0xffff  }
0x11f: {  	v3 =	vld.idx.msk [tilespmem:v3+s4+$0x0], $0xffff  }
0x120: {  	v2 =	vld.idx.msk [tilespmem:v2+s4+$0x0], $0xffff  }
0x121: {  	v1 =	vld.idx.msk [tilespmem:v1+s4+$0x0], $0xffff;
	[tilespmem:s8+$0x1D770] =	vst v7  }
0x122: {  	[tilespmem:s8+$0x1D700] =	vst v0  }
0x123: {  	[tilespmem:s8+$0x1D710] =	vst v6  }
0x124: {  	[tilespmem:s8+$0x1D720] =	vst v5  }
.Ltmp4:
0x125: {  	[tilespmem:s8+$0x1D730] =	vst v4;
	(pc) =	sbr.rel @p1 .LBB2_13-.Ltmp4, $4  }
0x126: {  	[tilespmem:s8+$0x1D740] =	vst v3  }
0x127: {  	[tilespmem:s8+$0x1D750] =	vst v2  }
0x128: {  	s6 =	sadd.s32 s6, s13;
	[tilespmem:s8+$0x1D760] =	vst v1  }
0x129: {  	[hbm4b:s6+s18] =	stream.strided.scatter [tilespmem:s29], [sflag:$0x6], $0x1000, s19, s18, $0x38;
	[tilespmem:$0x1E700] =	vst v63  }
0x12a: {  	s6 =	sadd.s32 $0x7, s23  }
.Ltmp5:
0x12b: {  	s7 =	sshll.u32 s6, $0x4;
	(pc) =	sbr.rel .LBB2_3-.Ltmp5, $4  }
0x12c: {  	s6 =	sshll.u32 s6, $0x9;
	s7 =	sand.u32 $0x70, s7  }
0x12d: {  	s6 =	sand.u32 $0xF000, s6;
	s7 =	sadd.s32 s1, s7  }
0x12e: {  	s2 =	sadd.s32 $0x1, s2;
	s6 =	sadd.s32 s6, s7  }
0x12f: {  	[tilespmem:s24], [sflag:$0x4] =	stream.strided.gather [hbm4b:s6+s18], $0x1000, s19, s18, $0x38;
	[tilespmem:$0x1E700] =	vst v63  }
.LBB2_13:
0x130: {  	_ =	swait.ge [sflag:s25], $0x1000  }
0x131: {  	[sflag:s25] =	ssyncset.done $0x0  }
0x132: {  	[sflag:s25] =	ssyncadd.s32 $0xFFFFF000  }
0x133: {  	_ =	swait.ge [sflag:s31], $0x1000  }
0x134: {  	[sflag:s31] =	ssyncset.done $0x0  }
0x135: {  	s2 =	simm.s32 $0x0;
	[sflag:s31] =	ssyncadd.s32 $0xFFFFF000  }
0x136: {  	v0 =	vld [tilespmem:s2+$0x18700]  }
0x137: {  	v1 =	vld [tilespmem:s2+$0x18770]  }
0x138: {  	v2 =	vld [tilespmem:s2+$0x18710]  }
0x139: {  	v3 =	vld [tilespmem:s2+$0x18720]  }
0x13a: {  	v4 =	vld [tilespmem:s2+$0x18730]  }
0x13b: {  	v7 =	vld [tilespmem:s2+$0x18740]  }
0x13c: {  	v8 =	vld [tilespmem:s2+$0x18750]  }
0x13d: {  	v9 =	vld [tilespmem:s2+$0x18760]  }
0x13e: {  	v10 =	vld.idx.msk [tilespmem:v0+s4+$0x0], $0xffff  }
0x13f: {  	v0 =	vld.idx.msk [tilespmem:v1+s4+$0x0], $0xffff  }
0x140: {  	v6 =	vld.idx.msk [tilespmem:v2+s4+$0x0], $0xffff  }
0x141: {  	v5 =	vld.idx.msk [tilespmem:v3+s4+$0x0], $0xffff  }
0x142: {  	v4 =	vld.idx.msk [tilespmem:v4+s4+$0x0], $0xffff  }
0x143: {  	v3 =	vld.idx.msk [tilespmem:v7+s4+$0x0], $0xffff  }
0x144: {  	v2 =	vld.idx.msk [tilespmem:v8+s4+$0x0], $0xffff  }
0x145: {  	s6 =	simm.s32 $0x80;
	v1 =	vld.idx.msk [tilespmem:v9+s4+$0x0], $0xffff;
	[tilespmem:s2+$0x1C770] =	vst v0  }
0x146: {  	s7 =	simm.s32 $0x400;
	v0 =	vld [tilespmem:s6+$0x18700];
	[tilespmem:s2+$0x1C700] =	vst v10  }
.LBB2_14:
0x147: {  	p1 =	sne.s32 s7, $0x3E00;
	v7 =	vld [tilespmem:s6+$0x18770];
	[tilespmem:s2+$0x1C710] =	vst v6  }
0x148: {  	v6 =	vld [tilespmem:s6+$0x18710];
	[tilespmem:s2+$0x1C720] =	vst v5  }
0x149: {  	v5 =	vld [tilespmem:s6+$0x18720];
	[tilespmem:s2+$0x1C730] =	vst v4  }
0x14a: {  	v4 =	vld [tilespmem:s6+$0x18730];
	[tilespmem:s2+$0x1C740] =	vst v3  }
0x14b: {  	v3 =	vld [tilespmem:s6+$0x18740];
	[tilespmem:s2+$0x1C750] =	vst v2  }
0x14c: {  	v2 =	vld [tilespmem:s6+$0x18750];
	[tilespmem:s2+$0x1C760] =	vst v1;
	s2 =	smov.u32 s6  }
0x14d: {  	v1 =	vld [tilespmem:s2+$0x18760]  }
0x14e: {  	v8 =	vld.idx.msk [tilespmem:v0+s4+$0x0], $0xffff  }
0x14f: {  	v0 =	vld.idx.msk [tilespmem:v7+s4+$0x0], $0xffff  }
0x150: {  	v6 =	vld.idx.msk [tilespmem:v6+s4+$0x0], $0xffff  }
0x151: {  	v5 =	vld.idx.msk [tilespmem:v5+s4+$0x0], $0xffff  }
.Ltmp6:
0x152: {  	v4 =	vld.idx.msk [tilespmem:v4+s4+$0x0], $0xffff;
	(pc) =	sbr.rel @p1 .LBB2_14-.Ltmp6, $4  }
0x153: {  	v3 =	vld.idx.msk [tilespmem:v3+s4+$0x0], $0xffff  }
0x154: {  	v2 =	vld.idx.msk [tilespmem:v2+s4+$0x0], $0xffff  }
0x155: {  	s6 =	sshra.s32 s7, $0x2;
	v1 =	vld.idx.msk [tilespmem:v1+s4+$0x0], $0xffff;
	[tilespmem:s2+$0x1C770] =	vst v0  }
0x156: {  	s7 =	sadd.s32 $0x200, s7;
	v0 =	vld [tilespmem:s6+$0x18700];
	[tilespmem:s2+$0x1C700] =	vst v8  }
0x157: {  	_ = 	snop  }
0x158: {  	v7 =	vld [tilespmem:s6+$0x18770];
	[tilespmem:s2+$0x1C710] =	vst v6  }
0x159: {  	v6 =	vld [tilespmem:s6+$0x18710];
	[tilespmem:s2+$0x1C720] =	vst v5  }
0x15a: {  	v5 =	vld [tilespmem:s6+$0x18720];
	[tilespmem:s2+$0x1C730] =	vst v4  }
0x15b: {  	v4 =	vld [tilespmem:s6+$0x18730];
	[tilespmem:s2+$0x1C740] =	vst v3  }
0x15c: {  	v3 =	vld [tilespmem:s6+$0x18740];
	[tilespmem:s2+$0x1C750] =	vst v2  }
0x15d: {  	v2 =	vld [tilespmem:s6+$0x18750];
	[tilespmem:s2+$0x1C760] =	vst v1  }
0x15e: {  	v1 =	vld [tilespmem:s6+$0x18760]  }
0x15f: {  	v0 =	vld.idx.msk [tilespmem:v0+s4+$0x0], $0xffff  }
0x160: {  	v7 =	vld.idx.msk [tilespmem:v7+s4+$0x0], $0xffff  }
0x161: {  	v6 =	vld.idx.msk [tilespmem:v6+s4+$0x0], $0xffff  }
0x162: {  	v5 =	vld.idx.msk [tilespmem:v5+s4+$0x0], $0xffff  }
0x163: {  	v4 =	vld.idx.msk [tilespmem:v4+s4+$0x0], $0xffff  }
0x164: {  	v3 =	vld.idx.msk [tilespmem:v3+s4+$0x0], $0xffff  }
0x165: {  	v2 =	vld.idx.msk [tilespmem:v2+s4+$0x0], $0xffff  }
0x166: {  	v1 =	vld.idx.msk [tilespmem:v1+s4+$0x0], $0xffff;
	[tilespmem:s6+$0x1C770] =	vst v7  }
0x167: {  	[tilespmem:s6+$0x1C700] =	vst v0  }
0x168: {  	[tilespmem:s6+$0x1C710] =	vst v6  }
0x169: {  	[tilespmem:s6+$0x1C720] =	vst v5  }
0x16a: {  	[tilespmem:s6+$0x1C730] =	vst v4  }
0x16b: {  	[tilespmem:s6+$0x1C740] =	vst v3  }
0x16c: {  	s2 =	sshrl.u32 s16, $0x3;
	[tilespmem:s6+$0x1C750] =	vst v2  }
0x16d: {  	s23 =	sadd.s32 s2, s14;
	[tilespmem:s6+$0x1C760] =	vst v1  }
0x16e: {  	[hbm4b:s23+s18] =	stream.strided.scatter [tilespmem:s26], [sflag:$0x5], $0x1000, s19, s18, $0x38;
	[tilespmem:$0x1E700] =	vst v63  }
0x16f: {  	_ =	swait.ge [sflag:s28], $0x1000  }
0x170: {  	[sflag:s28] =	ssyncset.done $0x0  }
0x171: {  	[sflag:s28] =	ssyncadd.s32 $0xFFFFF000  }
0x172: {  	_ =	swait.ge [sflag:s5], $0x1000  }
0x173: {  	[sflag:s5] =	ssyncset.done $0x0  }
0x174: {  	s6 =	simm.s32 $0x0;
	[sflag:s5] =	ssyncadd.s32 $0xFFFFF000  }
0x175: {  	v0 =	vld [tilespmem:s6+$0x19700]  }
0x176: {  	v1 =	vld [tilespmem:s6+$0x19770]  }
0x177: {  	v2 =	vld [tilespmem:s6+$0x19710]  }
0x178: {  	v3 =	vld [tilespmem:s6+$0x19720]  }
0x179: {  	v4 =	vld [tilespmem:s6+$0x19730]  }
0x17a: {  	v7 =	vld [tilespmem:s6+$0x19740]  }
0x17b: {  	v8 =	vld [tilespmem:s6+$0x19750]  }
0x17c: {  	v9 =	vld [tilespmem:s6+$0x19760]  }
0x17d: {  	v10 =	vld.idx.msk [tilespmem:v0+s4+$0x0], $0xffff  }
0x17e: {  	v0 =	vld.idx.msk [tilespmem:v1+s4+$0x0], $0xffff  }
0x17f: {  	v6 =	vld.idx.msk [tilespmem:v2+s4+$0x0], $0xffff  }
0x180: {  	v5 =	vld.idx.msk [tilespmem:v3+s4+$0x0], $0xffff  }
0x181: {  	v4 =	vld.idx.msk [tilespmem:v4+s4+$0x0], $0xffff  }
0x182: {  	v3 =	vld.idx.msk [tilespmem:v7+s4+$0x0], $0xffff  }
0x183: {  	v2 =	vld.idx.msk [tilespmem:v8+s4+$0x0], $0xffff  }
0x184: {  	s7 =	simm.s32 $0x80;
	v1 =	vld.idx.msk [tilespmem:v9+s4+$0x0], $0xffff;
	[tilespmem:s6+$0x1D770] =	vst v0  }
0x185: {  	s8 =	simm.s32 $0x400;
	v0 =	vld [tilespmem:s7+$0x19700];
	[tilespmem:s6+$0x1D700] =	vst v10  }
.LBB2_16:
0x186: {  	p1 =	sne.s32 s8, $0x3E00;
	v7 =	vld [tilespmem:s7+$0x19770];
	[tilespmem:s6+$0x1D710] =	vst v6  }
0x187: {  	v6 =	vld [tilespmem:s7+$0x19710];
	[tilespmem:s6+$0x1D720] =	vst v5  }
0x188: {  	v5 =	vld [tilespmem:s7+$0x19720];
	[tilespmem:s6+$0x1D730] =	vst v4  }
0x189: {  	v4 =	vld [tilespmem:s7+$0x19730];
	[tilespmem:s6+$0x1D740] =	vst v3  }
0x18a: {  	v3 =	vld [tilespmem:s7+$0x19740];
	[tilespmem:s6+$0x1D750] =	vst v2  }
0x18b: {  	v2 =	vld [tilespmem:s7+$0x19750];
	[tilespmem:s6+$0x1D760] =	vst v1;
	s6 =	smov.u32 s7  }
0x18c: {  	v1 =	vld [tilespmem:s6+$0x19760]  }
0x18d: {  	v8 =	vld.idx.msk [tilespmem:v0+s4+$0x0], $0xffff  }
0x18e: {  	v0 =	vld.idx.msk [tilespmem:v7+s4+$0x0], $0xffff  }
0x18f: {  	v6 =	vld.idx.msk [tilespmem:v6+s4+$0x0], $0xffff  }
0x190: {  	v5 =	vld.idx.msk [tilespmem:v5+s4+$0x0], $0xffff  }
.Ltmp7:
0x191: {  	v4 =	vld.idx.msk [tilespmem:v4+s4+$0x0], $0xffff;
	(pc) =	sbr.rel @p1 .LBB2_16-.Ltmp7, $4  }
0x192: {  	v3 =	vld.idx.msk [tilespmem:v3+s4+$0x0], $0xffff  }
0x193: {  	v2 =	vld.idx.msk [tilespmem:v2+s4+$0x0], $0xffff  }
0x194: {  	s7 =	sshra.s32 s8, $0x2;
	v1 =	vld.idx.msk [tilespmem:v1+s4+$0x0], $0xffff;
	[tilespmem:s6+$0x1D770] =	vst v0  }
0x195: {  	s8 =	sadd.s32 $0x200, s8;
	v0 =	vld [tilespmem:s7+$0x19700];
	[tilespmem:s6+$0x1D700] =	vst v8  }
0x196: {  	_ = 	snop  }
0x197: {  	v7 =	vld [tilespmem:s7+$0x19770];
	[tilespmem:s6+$0x1D710] =	vst v6  }
0x198: {  	v6 =	vld [tilespmem:s7+$0x19710];
	[tilespmem:s6+$0x1D720] =	vst v5  }
0x199: {  	v5 =	vld [tilespmem:s7+$0x19720];
	[tilespmem:s6+$0x1D730] =	vst v4  }
0x19a: {  	v4 =	vld [tilespmem:s7+$0x19730];
	[tilespmem:s6+$0x1D740] =	vst v3  }
0x19b: {  	v3 =	vld [tilespmem:s7+$0x19740];
	[tilespmem:s6+$0x1D750] =	vst v2  }
0x19c: {  	v2 =	vld [tilespmem:s7+$0x19750];
	[tilespmem:s6+$0x1D760] =	vst v1  }
0x19d: {  	v1 =	vld [tilespmem:s7+$0x19760]  }
0x19e: {  	v0 =	vld.idx.msk [tilespmem:v0+s4+$0x0], $0xffff  }
0x19f: {  	v7 =	vld.idx.msk [tilespmem:v7+s4+$0x0], $0xffff  }
0x1a0: {  	v6 =	vld.idx.msk [tilespmem:v6+s4+$0x0], $0xffff  }
0x1a1: {  	v5 =	vld.idx.msk [tilespmem:v5+s4+$0x0], $0xffff  }
0x1a2: {  	v4 =	vld.idx.msk [tilespmem:v4+s4+$0x0], $0xffff  }
0x1a3: {  	v3 =	vld.idx.msk [tilespmem:v3+s4+$0x0], $0xffff  }
0x1a4: {  	v2 =	vld.idx.msk [tilespmem:v2+s4+$0x0], $0xffff  }
0x1a5: {  	v1 =	vld.idx.msk [tilespmem:v1+s4+$0x0], $0xffff;
	[tilespmem:s7+$0x1D770] =	vst v7  }
0x1a6: {  	[tilespmem:s7+$0x1D700] =	vst v0  }
0x1a7: {  	[tilespmem:s7+$0x1D710] =	vst v6  }
0x1a8: {  	[tilespmem:s7+$0x1D720] =	vst v5  }
0x1a9: {  	[tilespmem:s7+$0x1D730] =	vst v4  }
0x1aa: {  	[tilespmem:s7+$0x1D740] =	vst v3  }
0x1ab: {  	[tilespmem:s7+$0x1D750] =	vst v2  }
0x1ac: {  	s23 =	sadd.s32 s2, s15;
	s2 =	simm.s32 $0x80;
	[tilespmem:s7+$0x1D760] =	vst v1  }
0x1ad: {  	[hbm4b:s23+s2] =	stream.strided.scatter [tilespmem:s29], [sflag:$0x6], $0x1000, s19, s2, $0x38;
	[tilespmem:$0x1E700] =	vst v63  }
0x1ae: {  	_ =	swait.ge [sflag:s31], $0x1000  }
.Ltmp8:
0x1af: {  	[sflag:s31] =	ssyncset.done $0x0;
	(pc) =	sbr.rel @p0 .LBB2_2-.Ltmp8, $4  }
0x1b0: {  	[sflag:s31] =	ssyncadd.s32 $0xFFFFF000  }
0x1b1: {  	_ =	swait.ge [sflag:s5], $0x1000  }
0x1b2: {  	[sflag:s5] =	ssyncset.done $0x0  }
0x1b3: {  	p1 =	por $0x0, $0x0;
	[sflag:s5] =	ssyncadd.s32 $0xFFFFF000  }
0x1b4: {  	s6 =	rddreg [dreg:$0xa]  }
0x1b5: {  	s2 =	rddreg [dreg:$0x9];
	s6 =	sadd.s32 $0x1, s6  }
0x1b6: {  	p0 =	sne.s32 s6, s2  }
.Ltmp9:
0x1b7: {  	_ = 	snop;
	(pc) =	sbr.rel @p0 .LBB2_1-.Ltmp9, $1  }
0x1b8: {  	_ =	sdelay $0x3  }
0x1b9: {  	_ =	sfence.sel $0x180000  }
0x1ba: {  	[bflag:$0x0] =	sbarrier.arrive $0xFFFF  }
0x1bb: {  	_ =	strace $0x90000047  }
0x1bc: {  	s0 =	stileid.u32;
	[bflag:$0x2] =	sbarrier.arrive $0xFFFF  }
0x1bd: {  	p0 =	sne.s32 s0, $0x0;
	s0 =	rddreg [dreg:$0x3]  }
0x1be: {  	s0 =	sadd.s32 @!p0 $0x100000, s0  }
0x1bf: {  	[sflag:s0] =	ssyncadd.tile.s32 @!p0 $0x1;
	_ =	shalt  }
.Lfunc_end2:
_tile_overlayer_lowered:
.L_overlay_start_2:
0x1c0: {  	(tag) =	ssettag $0x2  }
0x1c1: {  	s0 =	rddreg [dreg:$0x0];
	s2 =	stileid.u32  }
0x1c2: {  	s1 =	rddreg [dreg:$0x1];
	p0 =	sne.s32 s2, $0x0  }
0x1c3: {  	s3 =	rddreg [dreg:$0x2];
	[bflag:$0x3] =	sbarrier.arrive $0xFFFF;
	s2 =	simm.s32 @!p0 $0x1C07  }
0x1c4: {  	[timem:s3], [sflag:s2] =	dma.local @!p0 [hbm:s0], s1  }
0x1c5: {  	s0 =	simm.s32 @!p0 $0x7  }
0x1c6: {  	_ =	swait.ge @!p0 [sflag:s0], s1  }
0x1c7: {  	s1 =	ssub.s32 @!p0 $0x0, s1;
	[sflag:s0] =	ssyncset.done @!p0 $0x0  }
0x1c8: {  	[sflag:s0] =	ssyncadd.s32 @!p0 s1  }
0x1c9: {  	[bflag:$0x3] =	sbarrier.arrive $0xFFFF  }
0x1ca: {  	_ =	shalt  }

</sc_bundles>
